<compile_context>
chip_gen: v7x
topology: tpu7x:2x2x1
jax: 0.10.2.dev20260603
libtpu: 0.0.44.dev20260713+nightly
codegen_flags: <defaults>
</compile_context>

<pallas_src>
import functools

import jax
import jax.numpy as jnp
from jax import lax
from jax.experimental import pallas as pl
from jax.experimental.pallas import tpu as pltpu
from jax.experimental.pallas import tpu_sc as plsc

N = 10000
E = 320000
D = 128
F1, F2, F3 = 256, 128, 64

NC = 2
NS = 16
EPC = E // NS
CK = 80
NCH = EPC // CK
RPT0 = 624
RPT_LAST = 640
ROW_LAST = (NS - 1) * RPT0
DEGW = 8


def _tile_slab_copy(s, make_src, make_dst):
    @pl.when(s < NS - 1)
    def _():
        row0 = s * RPT0
        pltpu.sync_copy(make_src(row0, RPT0), make_dst(row0, RPT0))

    @pl.when(s == NS - 1)
    def _():
        pltpu.sync_copy(make_src(ROW_LAST, RPT_LAST),
                        make_dst(ROW_LAST, RPT_LAST))

_sc_mesh = dict(core_axis_name="c", subcore_axis_name="s")


@functools.partial(
    pl.kernel,
    mesh=plsc.VectorSubcoreMesh(**_sc_mesh),
    out_type=jax.ShapeDtypeStruct((2 * N, DEGW), jnp.float32),
    scratch_types=[
        pltpu.VMEM((CK,), jnp.int32),
        pltpu.VMEM((CK, DEGW), jnp.float32),
        pltpu.VMEM_SHARED((N, DEGW), jnp.float32),
        pltpu.SemaphoreType.DMA,
    ],
)
def _deg_kernel(dsts_hbm, ones_hbm, deg_hbm, idx_v, ones_v, acc_sh, sem):
    c = lax.axis_index("c")
    s = lax.axis_index("s")
    _tile_slab_copy(s,
                    lambda r0, nr: ones_hbm.at[pl.ds(0, nr)],
                    lambda r0, nr: acc_sh.at[pl.ds(r0, nr)])
    pltpu.sync_copy(ones_hbm.at[pl.ds(0, CK)], ones_v)
    plsc.subcore_barrier()

    def body(k, carry):
        off = c * E + s * EPC + k * CK
        pltpu.sync_copy(dsts_hbm.at[pl.ds(off, CK)], idx_v)
        pltpu.sync_copy(ones_v, acc_sh.at[idx_v], add=True)
        return carry

    lax.fori_loop(0, NCH, body, 0)
    plsc.subcore_barrier()
    _tile_slab_copy(s,
                    lambda r0, nr: acc_sh.at[pl.ds(r0, nr)],
                    lambda r0, nr: deg_hbm.at[pl.ds(c * N + r0, nr)])


@functools.partial(
    pl.kernel,
    mesh=plsc.VectorSubcoreMesh(**_sc_mesh),
    out_type=jax.ShapeDtypeStruct((2 * N, D), jnp.float32),
    scratch_types=[
        pltpu.VMEM((CK,), jnp.int32),
        pltpu.VMEM((CK,), jnp.int32),
        pltpu.VMEM((CK, D), jnp.float32),
        pltpu.VMEM_SHARED((N, D), jnp.float32),
        pltpu.SemaphoreType.DMA,
    ],
)
def _agg_kernel(srcs_hbm, dsts_hbm, y_hbm, gsum_hbm, src_v, dst_v, rows_v,
                acc_sh, sem):
    c = lax.axis_index("c")
    s = lax.axis_index("s")
    _tile_slab_copy(s,
                    lambda r0, nr: y_hbm.at[pl.ds(c * N + r0, nr)],
                    lambda r0, nr: acc_sh.at[pl.ds(r0, nr)])
    plsc.subcore_barrier()

    def body(k, carry):
        off = c * E + s * EPC + k * CK
        pltpu.sync_copy(srcs_hbm.at[pl.ds(off, CK)], src_v)
        pltpu.sync_copy(dsts_hbm.at[pl.ds(off, CK)], dst_v)
        pltpu.async_copy(y_hbm.at[src_v], rows_v, sem).wait()
        pltpu.sync_copy(rows_v, acc_sh.at[dst_v], add=True)
        return carry

    lax.fori_loop(0, NCH, body, 0)
    plsc.subcore_barrier()
    _tile_slab_copy(s,
                    lambda r0, nr: acc_sh.at[pl.ds(r0, nr)],
                    lambda r0, nr: gsum_hbm.at[pl.ds(c * N + r0, nr)])


_PREP_B = 2 * N // 10


def _prep_body(x_ref, deg_ref, y_ref):
    y_ref[...] = x_ref[...] * lax.rsqrt(deg_ref[:, 0:1])


_prep = pl.pallas_call(
    _prep_body,
    grid=(10,),
    in_specs=[
        pl.BlockSpec((_PREP_B, D), lambda i: (i, 0)),
        pl.BlockSpec((_PREP_B, DEGW), lambda i: (i, 0)),
    ],
    out_specs=pl.BlockSpec((_PREP_B, D), lambda i: (i, 0)),
    out_shape=jax.ShapeDtypeStruct((2 * N, D), jnp.float32),
)


_BR = 1000
_NBPG = N // _BR


def _mlp_body(g_ref, deg_ref, w1_ref, b1_ref, w2_ref, b2_ref, w3_ref, b3_ref,
              out_ref):
    i = pl.program_id(0)
    g = i // _NBPG
    rows = g_ref[...] * lax.rsqrt(deg_ref[:, 0:1])
    h1 = jnp.maximum(
        lax.dot_general(rows, w1_ref[...], (((1,), (0,)), ((), ())),
                        preferred_element_type=jnp.float32) + b1_ref[...], 0.0)
    h2 = jnp.maximum(
        lax.dot_general(h1, w2_ref[...], (((1,), (1,)), ((), ())),
                        preferred_element_type=jnp.float32) + b2_ref[...], 0.0)
    h3 = jnp.maximum(
        lax.dot_general(h2, w3_ref[...], (((1,), (1,)), ((), ())),
                        preferred_element_type=jnp.float32) + b3_ref[...], 0.0)
    part = jnp.sum(h3, axis=0, keepdims=True)

    @pl.when(i == 0)
    def _():
        out_ref[...] = jnp.zeros_like(out_ref)

    rowmask = (lax.broadcasted_iota(jnp.int32, (2, 1), 0) == g)
    out_ref[...] += jnp.where(rowmask, part, 0.0)

    @pl.when(i == 2 * _NBPG - 1)
    def _():
        out_ref[...] *= (1.0 / N)


_mlp = pl.pallas_call(
    _mlp_body,
    grid=(2 * _NBPG,),
    in_specs=[
        pl.BlockSpec((_BR, D), lambda i: (i, 0)),
        pl.BlockSpec((_BR, DEGW), lambda i: (i, 0)),
        pl.BlockSpec((D, F1), lambda i: (0, 0)),
        pl.BlockSpec((1, F1), lambda i: (0, 0)),
        pl.BlockSpec((F2, F1), lambda i: (0, 0)),
        pl.BlockSpec((1, F2), lambda i: (0, 0)),
        pl.BlockSpec((F3, F2), lambda i: (0, 0)),
        pl.BlockSpec((1, F3), lambda i: (0, 0)),
    ],
    out_specs=pl.BlockSpec((2, F3), lambda i: (0, 0)),
    out_shape=jax.ShapeDtypeStruct((2, F3), jnp.float32),
)


def kernel(features_1, edge_index_1, features_2, edge_index_2,
           W1, b1, W2, b2, W3, b3):
    xs = jnp.concatenate([features_1, features_2], axis=0)
    srcs = jnp.concatenate([edge_index_1[0], edge_index_2[0] + N])
    dsts = jnp.concatenate([edge_index_1[1], edge_index_2[1]])
    ones = jnp.ones((N, DEGW), jnp.float32)

    deg = _deg_kernel(dsts, ones)
    y = _prep(xs, deg)
    gsum = _agg_kernel(srcs, dsts, y)
    out = _mlp(gsum, deg, W1, b1[None, :], W2, b2[None, :], W3, b3[None, :])
    return (out[0].reshape(F3, 1), out[1].reshape(F3, 1))

# --- scband reference (transcript-rebuilt; emitter-appended) ---
"""Pipeline reference for scband-student-57784490000391 (READ-ONLY COPY).

The authoritative reference and input builder live on the scoring server;
editing this copy changes nothing except your own understanding.
"""

import jax, jax.numpy as jnp
import numpy as np

N = 10000
E = 320000
D = 128
F1, F2, F3 = 256, 128, 64


def setup_inputs(seed: int = 0) -> dict:
    key = jax.random.key(seed)
    ks = jax.random.split(key, 12)
    features_1 = jax.random.normal(ks[0], (N, D), dtype=jnp.float32)
    features_2 = jax.random.normal(ks[1], (N, D), dtype=jnp.float32)
    edge_index_1 = jax.random.randint(ks[2], (2, E), 0, N, dtype=jnp.int32)
    edge_index_2 = jax.random.randint(ks[3], (2, E), 0, N, dtype=jnp.int32)
    W1 = jax.random.normal(ks[4], (D, F1), dtype=jnp.float32) * 0.05
    b1 = jnp.zeros((F1,), dtype=jnp.float32)
    W2 = jax.random.normal(ks[5], (F2, F1), dtype=jnp.float32) * 0.05
    b2 = jnp.zeros((F2,), dtype=jnp.float32)
    W3 = jax.random.normal(ks[6], (F3, F2), dtype=jnp.float32) * 0.05
    b3 = jnp.zeros((F3,), dtype=jnp.float32)
    return {"features_1": features_1, "edge_index_1": edge_index_1,
            "features_2": features_2, "edge_index_2": edge_index_2,
            "W1": W1, "b1": b1, "W2": W2, "b2": b2, "W3": W3, "b3": b3}


def gcn_conv(x, edge_index, W, b, num_nodes):
    # PyG GCNConv: linear transform, add self-loops, symmetric normalization, scatter-add, bias
    src = edge_index[0]
    dst = edge_index[1]
    loop = jnp.arange(num_nodes, dtype=src.dtype)
    src = jnp.concatenate([src, loop])
    dst = jnp.concatenate([dst, loop])
    xw = x @ W
    ones = jnp.ones(dst.shape[0], dtype=xw.dtype)
    deg = jax.ops.segment_sum(ones, dst, num_segments=num_nodes)
    dinv = jnp.where(deg > 0, 1.0 / jnp.sqrt(deg), 0.0)
    norm = dinv[src] * dinv[dst]
    msg = xw[src] * norm[:, None]
    out = jax.ops.segment_sum(msg, dst, num_segments=num_nodes)
    return out + b


def layermodule(features, edge_index, W1, b1, W2, b2, W3, b3):
    # dropout p=0.0 / eval mode -> identity
    h = jax.nn.relu(gcn_conv(features, edge_index, W1, b1, features.shape[0]))
    # Conv1d(kernel_size=1) over [1, f, N] == per-node linear
    h = jax.nn.relu(h @ W2.T + b2)
    h = jax.nn.relu(h @ W3.T + b3)
    v = h.mean(axis=0)          # mean over nodes -> [F3]
    return v[:, None]           # transpose back -> [F3, 1]


def reference(features_1, edge_index_1, features_2, edge_index_2, W1, b1, W2, b2, W3, b3):
    v1 = layermodule(features_1, edge_index_1, W1, b1, W2, b2, W3, b3)
    v2 = layermodule(features_2, edge_index_2, W1, b1, W2, b2, W3, b3)
    return (v1, v2)

if __name__ == "__main__":
    import jax
    _d = setup_inputs()
    print(jax.jit(kernel)(*tuple(_d.values())))

</pallas_src>

<mosaic_0001>
#map = affine_map<(d0, d1) -> (0)>
#map1 = affine_map<(d0, d1) -> (0, 0)>
module attributes {stable_mosaic.version = 14 : i64} {
  func.func @_deg_kernel(%arg0: i32, %arg1: i32, %arg2: memref<640000xi32, #tpu.memory_space<hbm>>, %arg3: memref<10000x8xf32, #tpu.memory_space<hbm>>, %arg4: memref<20000x8xf32, #tpu.memory_space<hbm>>, %arg5: memref<80xi32, #tpu.memory_space<vmem>>, %arg6: memref<80x8xf32, #tpu.memory_space<vmem>>, %arg7: memref<10000x8xf32, #tpu.memory_space<vmem_shared>>, %arg8: memref<!tpu.dma_semaphore, #tpu.memory_space<semaphore_mem>>) attributes {dimension_semantics = [#tpu.dimension_semantics<core_parallel>, #tpu.dimension_semantics<subcore_parallel>], iteration_bounds = array<i64: 2, 16>, scalar_prefetch = 0 : i64, scratch_operands = 4 : i64, tpu.core_type = #tpu.core_type<sc_vector_subcore>, window_params = [{transform_indices = #map}, {transform_indices = #map1}, {transform_indices = #map1}]} {
    %lt3A = arith.constant 15 : i32
    %lt3A_0 = arith.cmpi slt, %arg1, %lt3A : i32
    %convert_element_type3A = arith.extui %lt3A_0 : i1 to i32
    %cond3A = arith.constant 0 : i32
    %cond3A_1 = arith.cmpi ne, %convert_element_type3A, %cond3A : i32
    scf.if %cond3A_1 {
      %mul3A = arith.constant 624 : i32
      %mul3A_22 = arith.muli %arg1, %mul3A : i32
      "tpu.region"() ({
        %run_scoped3A = tpu.sem_alloc : memref<!tpu.dma_semaphore, #tpu.memory_space<semaphore_mem>>
        %dma_start3A = arith.constant 0 : i32
        %dma_start3A_23 = tpu.memref_slice %arg7[%mul3A_22, %dma_start3A] : memref<10000x8xf32, #tpu.memory_space<vmem_shared>> -> memref<624x8xf32, #tpu.memory_space<vmem_shared>>
        %dma_start3A_24 = arith.constant 0 : i32
        %dma_start3A_25 = arith.constant 0 : i32
        %dma_start3A_26 = tpu.memref_slice %arg3[%dma_start3A_24, %dma_start3A_25] : memref<10000x8xf32, #tpu.memory_space<hbm>> -> memref<624x8xf32, #tpu.memory_space<hbm>>
        tpu.enqueue_dma source(%dma_start3A_26 : memref<624x8xf32, #tpu.memory_space<hbm>>) target(%dma_start3A_23 : memref<624x8xf32, #tpu.memory_space<vmem_shared>>) target_semaphore(%run_scoped3A : memref<!tpu.dma_semaphore, #tpu.memory_space<semaphore_mem>>)
        %dma_wait3A = arith.constant 0 : i32
        %dma_wait3A_27 = tpu.memref_slice %arg7[%mul3A_22, %dma_wait3A] : memref<10000x8xf32, #tpu.memory_space<vmem_shared>> -> memref<624x8xf32, #tpu.memory_space<vmem_shared>>
        %dma_wait3A_28 = arith.constant 0 : i32
        %dma_wait3A_29 = arith.constant 0 : i32
        %dma_wait3A_30 = tpu.memref_slice %arg3[%dma_wait3A_28, %dma_wait3A_29] : memref<10000x8xf32, #tpu.memory_space<hbm>> -> memref<624x8xf32, #tpu.memory_space<hbm>>
        tpu.wait_dma2 semaphore(%run_scoped3A : memref<!tpu.dma_semaphore, #tpu.memory_space<semaphore_mem>>) src(%dma_wait3A_30 : memref<624x8xf32, #tpu.memory_space<hbm>>) dst(%dma_wait3A_27 : memref<624x8xf32, #tpu.memory_space<vmem_shared>>)
        tpu.yield
      }) : () -> ()
    } else {
    }
    %eq3A = arith.constant 15 : i32
    %eq3A_2 = arith.cmpi eq, %arg1, %eq3A : i32
    %convert_element_type3A_3 = arith.extui %eq3A_2 : i1 to i32
    %cond3A_4 = arith.constant 0 : i32
    %cond3A_5 = arith.cmpi ne, %convert_element_type3A_3, %cond3A_4 : i32
    scf.if %cond3A_5 {
      "tpu.region"() ({
        %run_scoped3A = tpu.sem_alloc : memref<!tpu.dma_semaphore, #tpu.memory_space<semaphore_mem>>
        %dma_start3A = arith.constant 9360 : i32
        %dma_start3A_22 = arith.constant 0 : i32
        %dma_start3A_23 = tpu.memref_slice %arg7[%dma_start3A, %dma_start3A_22] : memref<10000x8xf32, #tpu.memory_space<vmem_shared>> -> memref<640x8xf32, #tpu.memory_space<vmem_shared>>
        %dma_start3A_24 = arith.constant 0 : i32
        %dma_start3A_25 = arith.constant 0 : i32
        %dma_start3A_26 = tpu.memref_slice %arg3[%dma_start3A_24, %dma_start3A_25] : memref<10000x8xf32, #tpu.memory_space<hbm>> -> memref<640x8xf32, #tpu.memory_space<hbm>>
        tpu.enqueue_dma source(%dma_start3A_26 : memref<640x8xf32, #tpu.memory_space<hbm>>) target(%dma_start3A_23 : memref<640x8xf32, #tpu.memory_space<vmem_shared>>) target_semaphore(%run_scoped3A : memref<!tpu.dma_semaphore, #tpu.memory_space<semaphore_mem>>)
        %dma_wait3A = arith.constant 9360 : i32
        %dma_wait3A_27 = arith.constant 0 : i32
        %dma_wait3A_28 = tpu.memref_slice %arg7[%dma_wait3A, %dma_wait3A_27] : memref<10000x8xf32, #tpu.memory_space<vmem_shared>> -> memref<640x8xf32, #tpu.memory_space<vmem_shared>>
        %dma_wait3A_29 = arith.constant 0 : i32
        %dma_wait3A_30 = arith.constant 0 : i32
        %dma_wait3A_31 = tpu.memref_slice %arg3[%dma_wait3A_29, %dma_wait3A_30] : memref<10000x8xf32, #tpu.memory_space<hbm>> -> memref<640x8xf32, #tpu.memory_space<hbm>>
        tpu.wait_dma2 semaphore(%run_scoped3A : memref<!tpu.dma_semaphore, #tpu.memory_space<semaphore_mem>>) src(%dma_wait3A_31 : memref<640x8xf32, #tpu.memory_space<hbm>>) dst(%dma_wait3A_28 : memref<640x8xf32, #tpu.memory_space<vmem_shared>>)
        tpu.yield
      }) : () -> ()
    } else {
    }
    "tpu.region"() ({
      %run_scoped3A = tpu.sem_alloc : memref<!tpu.dma_semaphore, #tpu.memory_space<semaphore_mem>>
      %dma_start3A = arith.constant 0 : i32
      %dma_start3A_22 = arith.constant 0 : i32
      %dma_start3A_23 = tpu.memref_slice %arg3[%dma_start3A, %dma_start3A_22] : memref<10000x8xf32, #tpu.memory_space<hbm>> -> memref<80x8xf32, #tpu.memory_space<hbm>>
      %dma_start3A_24 = arith.constant 0 : i32
      %dma_start3A_25 = arith.constant 0 : i32
      %dma_start3A_26 = tpu.memref_slice %arg3[%dma_start3A_24, %dma_start3A_25] : memref<10000x8xf32, #tpu.memory_space<hbm>> -> memref<80x8xf32, #tpu.memory_space<hbm>>
      tpu.enqueue_dma source(%dma_start3A_26 : memref<80x8xf32, #tpu.memory_space<hbm>>) target(%arg6 : memref<80x8xf32, #tpu.memory_space<vmem>>) target_semaphore(%run_scoped3A : memref<!tpu.dma_semaphore, #tpu.memory_space<semaphore_mem>>)
      %dma_wait3A = arith.constant 0 : i32
      %dma_wait3A_27 = arith.constant 0 : i32
      %dma_wait3A_28 = tpu.memref_slice %arg3[%dma_wait3A, %dma_wait3A_27] : memref<10000x8xf32, #tpu.memory_space<hbm>> -> memref<80x8xf32, #tpu.memory_space<hbm>>
      %dma_wait3A_29 = arith.constant 0 : i32
      %dma_wait3A_30 = arith.constant 0 : i32
      %dma_wait3A_31 = tpu.memref_slice %arg3[%dma_wait3A_29, %dma_wait3A_30] : memref<10000x8xf32, #tpu.memory_space<hbm>> -> memref<80x8xf32, #tpu.memory_space<hbm>>
      tpu.wait_dma2 semaphore(%run_scoped3A : memref<!tpu.dma_semaphore, #tpu.memory_space<semaphore_mem>>) src(%dma_wait3A_31 : memref<80x8xf32, #tpu.memory_space<hbm>>) dst(%arg6 : memref<80x8xf32, #tpu.memory_space<vmem>>)
      tpu.yield
    }) : () -> ()
    %barrier3A = arith.constant 0 : index
    tpu.barrier barrier_id(%barrier3A)
    %scan3A = arith.constant 0 : i32
    %scan3A_6 = arith.constant 0 : i32
    %scan3A_7 = arith.constant 250 : i32
    %scan3A_8 = arith.addi %scan3A_6, %scan3A_7 : i32
    %scan3A_9 = arith.constant 1 : i32
    scf.for %scan3A_22 = %scan3A_6 to %scan3A_8 step %scan3A_9  : i32 {
      %mul3A = arith.constant 320000 : i32
      %mul3A_23 = arith.muli %arg0, %mul3A : i32
      %mul3A_24 = arith.constant 20000 : i32
      %mul3A_25 = arith.muli %arg1, %mul3A_24 : i32
      %add3A = arith.addi %mul3A_23, %mul3A_25 : i32
      %mul3A_26 = arith.constant 80 : i32
      %mul3A_27 = arith.muli %scan3A_22, %mul3A_26 : i32
      %add3A_28 = arith.addi %add3A, %mul3A_27 : i32
      "tpu.region"() ({
        %run_scoped3A = tpu.sem_alloc : memref<!tpu.dma_semaphore, #tpu.memory_space<semaphore_mem>>
        %dma_start3A = tpu.memref_slice %arg2[%add3A_28] : memref<640000xi32, #tpu.memory_space<hbm>> -> memref<80xi32, #tpu.memory_space<hbm>>
        %dma_start3A_29 = tpu.memref_slice %arg2[%add3A_28] : memref<640000xi32, #tpu.memory_space<hbm>> -> memref<80xi32, #tpu.memory_space<hbm>>
        tpu.enqueue_dma source(%dma_start3A_29 : memref<80xi32, #tpu.memory_space<hbm>>) target(%arg5 : memref<80xi32, #tpu.memory_space<vmem>>) target_semaphore(%run_scoped3A : memref<!tpu.dma_semaphore, #tpu.memory_space<semaphore_mem>>)
        %dma_wait3A = tpu.memref_slice %arg2[%add3A_28] : memref<640000xi32, #tpu.memory_space<hbm>> -> memref<80xi32, #tpu.memory_space<hbm>>
        %dma_wait3A_30 = tpu.memref_slice %arg2[%add3A_28] : memref<640000xi32, #tpu.memory_space<hbm>> -> memref<80xi32, #tpu.memory_space<hbm>>
        tpu.wait_dma2 semaphore(%run_scoped3A : memref<!tpu.dma_semaphore, #tpu.memory_space<semaphore_mem>>) src(%dma_wait3A_30 : memref<80xi32, #tpu.memory_space<hbm>>) dst(%arg5 : memref<80xi32, #tpu.memory_space<vmem>>)
        tpu.yield
      }) : () -> ()
      "tpu.region"() ({
        %run_scoped3A = tpu.sem_alloc : memref<!tpu.dma_semaphore, #tpu.memory_space<semaphore_mem>>
        %dma_start3A = arith.constant 0 : i32
        %dma_start3A_29 = arith.constant 0 : i32
        %dma_start3A_30 = tpu.memref_slice %arg7[%dma_start3A, %dma_start3A_29] : memref<10000x8xf32, #tpu.memory_space<vmem_shared>> -> memref<10000x8xf32, #tpu.memory_space<vmem_shared>>
        tpu.enqueue_indirect_dma source(%arg6 : memref<80x8xf32, #tpu.memory_space<vmem>>) target(%dma_start3A_30 : memref<10000x8xf32, #tpu.memory_space<vmem_shared>>) offsets(%arg5 : memref<80xi32, #tpu.memory_space<vmem>>) semaphore(%run_scoped3A : memref<!tpu.dma_semaphore, #tpu.memory_space<semaphore_mem>>) {add = true}
        %dma_wait3A = arith.constant 0 : i32
        %dma_wait3A_31 = arith.constant 0 : i32
        %dma_wait3A_32 = tpu.memref_slice %arg7[%dma_wait3A, %dma_wait3A_31] : memref<10000x8xf32, #tpu.memory_space<vmem_shared>> -> memref<10000x8xf32, #tpu.memory_space<vmem_shared>>
        tpu.wait_indirect_dma semaphore(%run_scoped3A : memref<!tpu.dma_semaphore, #tpu.memory_space<semaphore_mem>>) src(%arg6 : memref<80x8xf32, #tpu.memory_space<vmem>>) dst(%dma_wait3A_32 : memref<10000x8xf32, #tpu.memory_space<vmem_shared>>)
        tpu.yield
      }) : () -> ()
    }
    %scan3A_10 = arith.constant 250 : i32
    %barrier3A_11 = arith.constant 0 : index
    tpu.barrier barrier_id(%barrier3A_11)
    %lt3A_12 = arith.constant 15 : i32
    %lt3A_13 = arith.cmpi slt, %arg1, %lt3A_12 : i32
    %convert_element_type3A_14 = arith.extui %lt3A_13 : i1 to i32
    %cond3A_15 = arith.constant 0 : i32
    %cond3A_16 = arith.cmpi ne, %convert_element_type3A_14, %cond3A_15 : i32
    scf.if %cond3A_16 {
      %mul3A = arith.constant 624 : i32
      %mul3A_22 = arith.muli %arg1, %mul3A : i32
      %mul3A_23 = arith.constant 10000 : i32
      %mul3A_24 = arith.muli %arg0, %mul3A_23 : i32
      %add3A = arith.addi %mul3A_24, %mul3A_22 : i32
      "tpu.region"() ({
        %run_scoped3A = tpu.sem_alloc : memref<!tpu.dma_semaphore, #tpu.memory_space<semaphore_mem>>
        %dma_start3A = arith.constant 0 : i32
        %dma_start3A_25 = tpu.memref_slice %arg4[%add3A, %dma_start3A] : memref<20000x8xf32, #tpu.memory_space<hbm>> -> memref<624x8xf32, #tpu.memory_space<hbm>>
        %dma_start3A_26 = arith.constant 0 : i32
        %dma_start3A_27 = tpu.memref_slice %arg7[%mul3A_22, %dma_start3A_26] : memref<10000x8xf32, #tpu.memory_space<vmem_shared>> -> memref<624x8xf32, #tpu.memory_space<vmem_shared>>
        tpu.enqueue_dma source(%dma_start3A_27 : memref<624x8xf32, #tpu.memory_space<vmem_shared>>) target(%dma_start3A_25 : memref<624x8xf32, #tpu.memory_space<hbm>>) target_semaphore(%run_scoped3A : memref<!tpu.dma_semaphore, #tpu.memory_space<semaphore_mem>>)
        %dma_wait3A = arith.constant 0 : i32
        %dma_wait3A_28 = tpu.memref_slice %arg4[%add3A, %dma_wait3A] : memref<20000x8xf32, #tpu.memory_space<hbm>> -> memref<624x8xf32, #tpu.memory_space<hbm>>
        %dma_wait3A_29 = arith.constant 0 : i32
        %dma_wait3A_30 = tpu.memref_slice %arg7[%mul3A_22, %dma_wait3A_29] : memref<10000x8xf32, #tpu.memory_space<vmem_shared>> -> memref<624x8xf32, #tpu.memory_space<vmem_shared>>
        tpu.wait_dma2 semaphore(%run_scoped3A : memref<!tpu.dma_semaphore, #tpu.memory_space<semaphore_mem>>) src(%dma_wait3A_30 : memref<624x8xf32, #tpu.memory_space<vmem_shared>>) dst(%dma_wait3A_28 : memref<624x8xf32, #tpu.memory_space<hbm>>)
        tpu.yield
      }) : () -> ()
    } else {
    }
    %eq3A_17 = arith.constant 15 : i32
    %eq3A_18 = arith.cmpi eq, %arg1, %eq3A_17 : i32
    %convert_element_type3A_19 = arith.extui %eq3A_18 : i1 to i32
    %cond3A_20 = arith.constant 0 : i32
    %cond3A_21 = arith.cmpi ne, %convert_element_type3A_19, %cond3A_20 : i32
    scf.if %cond3A_21 {
      %mul3A = arith.constant 10000 : i32
      %mul3A_22 = arith.muli %arg0, %mul3A : i32
      %add3A = arith.constant 9360 : i32
      %add3A_23 = arith.addi %mul3A_22, %add3A : i32
      "tpu.region"() ({
        %run_scoped3A = tpu.sem_alloc : memref<!tpu.dma_semaphore, #tpu.memory_space<semaphore_mem>>
        %dma_start3A = arith.constant 0 : i32
        %dma_start3A_24 = tpu.memref_slice %arg4[%add3A_23, %dma_start3A] : memref<20000x8xf32, #tpu.memory_space<hbm>> -> memref<640x8xf32, #tpu.memory_space<hbm>>
        %dma_start3A_25 = arith.constant 9360 : i32
        %dma_start3A_26 = arith.constant 0 : i32
        %dma_start3A_27 = tpu.memref_slice %arg7[%dma_start3A_25, %dma_start3A_26] : memref<10000x8xf32, #tpu.memory_space<vmem_shared>> -> memref<640x8xf32, #tpu.memory_space<vmem_shared>>
        tpu.enqueue_dma source(%dma_start3A_27 : memref<640x8xf32, #tpu.memory_space<vmem_shared>>) target(%dma_start3A_24 : memref<640x8xf32, #tpu.memory_space<hbm>>) target_semaphore(%run_scoped3A : memref<!tpu.dma_semaphore, #tpu.memory_space<semaphore_mem>>)
        %dma_wait3A = arith.constant 0 : i32
        %dma_wait3A_28 = tpu.memref_slice %arg4[%add3A_23, %dma_wait3A] : memref<20000x8xf32, #tpu.memory_space<hbm>> -> memref<640x8xf32, #tpu.memory_space<hbm>>
        %dma_wait3A_29 = arith.constant 9360 : i32
        %dma_wait3A_30 = arith.constant 0 : i32
        %dma_wait3A_31 = tpu.memref_slice %arg7[%dma_wait3A_29, %dma_wait3A_30] : memref<10000x8xf32, #tpu.memory_space<vmem_shared>> -> memref<640x8xf32, #tpu.memory_space<vmem_shared>>
        tpu.wait_dma2 semaphore(%run_scoped3A : memref<!tpu.dma_semaphore, #tpu.memory_space<semaphore_mem>>) src(%dma_wait3A_31 : memref<640x8xf32, #tpu.memory_space<vmem_shared>>) dst(%dma_wait3A_28 : memref<640x8xf32, #tpu.memory_space<hbm>>)
        tpu.yield
      }) : () -> ()
    } else {
    }
    return
  }
}

#map = affine_map<(d0, d1) -> (0)>
#map1 = affine_map<(d0, d1) -> (0, 0)>
module attributes {stable_mosaic.version = 14 : i64} {
  func.func @_agg_kernel(%arg0: i32, %arg1: i32, %arg2: memref<640000xi32, #tpu.memory_space<hbm>>, %arg3: memref<640000xi32, #tpu.memory_space<hbm>>, %arg4: memref<20000x128xf32, #tpu.memory_space<hbm>>, %arg5: memref<20000x128xf32, #tpu.memory_space<hbm>>, %arg6: memref<80xi32, #tpu.memory_space<vmem>>, %arg7: memref<80xi32, #tpu.memory_space<vmem>>, %arg8: memref<80x128xf32, #tpu.memory_space<vmem>>, %arg9: memref<10000x128xf32, #tpu.memory_space<vmem_shared>>, %arg10: memref<!tpu.dma_semaphore, #tpu.memory_space<semaphore_mem>>) attributes {dimension_semantics = [#tpu.dimension_semantics<core_parallel>, #tpu.dimension_semantics<subcore_parallel>], iteration_bounds = array<i64: 2, 16>, scalar_prefetch = 0 : i64, scratch_operands = 5 : i64, tpu.core_type = #tpu.core_type<sc_vector_subcore>, window_params = [{transform_indices = #map}, {transform_indices = #map}, {transform_indices = #map1}, {transform_indices = #map1}]} {
    %lt3A = arith.constant 15 : i32
    %lt3A_0 = arith.cmpi slt, %arg1, %lt3A : i32
    %convert_element_type3A = arith.extui %lt3A_0 : i1 to i32
    %cond3A = arith.constant 0 : i32
    %cond3A_1 = arith.cmpi ne, %convert_element_type3A, %cond3A : i32
    scf.if %cond3A_1 {
      %mul3A = arith.constant 624 : i32
      %mul3A_22 = arith.muli %arg1, %mul3A : i32
      %mul3A_23 = arith.constant 10000 : i32
      %mul3A_24 = arith.muli %arg0, %mul3A_23 : i32
      %add3A = arith.addi %mul3A_24, %mul3A_22 : i32
      "tpu.region"() ({
        %run_scoped3A = tpu.sem_alloc : memref<!tpu.dma_semaphore, #tpu.memory_space<semaphore_mem>>
        %dma_start3A = arith.constant 0 : i32
        %dma_start3A_25 = tpu.memref_slice %arg9[%mul3A_22, %dma_start3A] : memref<10000x128xf32, #tpu.memory_space<vmem_shared>> -> memref<624x128xf32, #tpu.memory_space<vmem_shared>>
        %dma_start3A_26 = arith.constant 0 : i32
        %dma_start3A_27 = tpu.memref_slice %arg4[%add3A, %dma_start3A_26] : memref<20000x128xf32, #tpu.memory_space<hbm>> -> memref<624x128xf32, #tpu.memory_space<hbm>>
        tpu.enqueue_dma source(%dma_start3A_27 : memref<624x128xf32, #tpu.memory_space<hbm>>) target(%dma_start3A_25 : memref<624x128xf32, #tpu.memory_space<vmem_shared>>) target_semaphore(%run_scoped3A : memref<!tpu.dma_semaphore, #tpu.memory_space<semaphore_mem>>)
        %dma_wait3A = arith.constant 0 : i32
        %dma_wait3A_28 = tpu.memref_slice %arg9[%mul3A_22, %dma_wait3A] : memref<10000x128xf32, #tpu.memory_space<vmem_shared>> -> memref<624x128xf32, #tpu.memory_space<vmem_shared>>
        %dma_wait3A_29 = arith.constant 0 : i32
        %dma_wait3A_30 = tpu.memref_slice %arg4[%add3A, %dma_wait3A_29] : memref<20000x128xf32, #tpu.memory_space<hbm>> -> memref<624x128xf32, #tpu.memory_space<hbm>>
        tpu.wait_dma2 semaphore(%run_scoped3A : memref<!tpu.dma_semaphore, #tpu.memory_space<semaphore_mem>>) src(%dma_wait3A_30 : memref<624x128xf32, #tpu.memory_space<hbm>>) dst(%dma_wait3A_28 : memref<624x128xf32, #tpu.memory_space<vmem_shared>>)
        tpu.yield
      }) : () -> ()
    } else {
    }
    %eq3A = arith.constant 15 : i32
    %eq3A_2 = arith.cmpi eq, %arg1, %eq3A : i32
    %convert_element_type3A_3 = arith.extui %eq3A_2 : i1 to i32
    %cond3A_4 = arith.constant 0 : i32
    %cond3A_5 = arith.cmpi ne, %convert_element_type3A_3, %cond3A_4 : i32
    scf.if %cond3A_5 {
      %mul3A = arith.constant 10000 : i32
      %mul3A_22 = arith.muli %arg0, %mul3A : i32
      %add3A = arith.constant 9360 : i32
      %add3A_23 = arith.addi %mul3A_22, %add3A : i32
      "tpu.region"() ({
        %run_scoped3A = tpu.sem_alloc : memref<!tpu.dma_semaphore, #tpu.memory_space<semaphore_mem>>
        %dma_start3A = arith.constant 9360 : i32
        %dma_start3A_24 = arith.constant 0 : i32
        %dma_start3A_25 = tpu.memref_slice %arg9[%dma_start3A, %dma_start3A_24] : memref<10000x128xf32, #tpu.memory_space<vmem_shared>> -> memref<640x128xf32, #tpu.memory_space<vmem_shared>>
        %dma_start3A_26 = arith.constant 0 : i32
        %dma_start3A_27 = tpu.memref_slice %arg4[%add3A_23, %dma_start3A_26] : memref<20000x128xf32, #tpu.memory_space<hbm>> -> memref<640x128xf32, #tpu.memory_space<hbm>>
        tpu.enqueue_dma source(%dma_start3A_27 : memref<640x128xf32, #tpu.memory_space<hbm>>) target(%dma_start3A_25 : memref<640x128xf32, #tpu.memory_space<vmem_shared>>) target_semaphore(%run_scoped3A : memref<!tpu.dma_semaphore, #tpu.memory_space<semaphore_mem>>)
        %dma_wait3A = arith.constant 9360 : i32
        %dma_wait3A_28 = arith.constant 0 : i32
        %dma_wait3A_29 = tpu.memref_slice %arg9[%dma_wait3A, %dma_wait3A_28] : memref<10000x128xf32, #tpu.memory_space<vmem_shared>> -> memref<640x128xf32, #tpu.memory_space<vmem_shared>>
        %dma_wait3A_30 = arith.constant 0 : i32
        %dma_wait3A_31 = tpu.memref_slice %arg4[%add3A_23, %dma_wait3A_30] : memref<20000x128xf32, #tpu.memory_space<hbm>> -> memref<640x128xf32, #tpu.memory_space<hbm>>
        tpu.wait_dma2 semaphore(%run_scoped3A : memref<!tpu.dma_semaphore, #tpu.memory_space<semaphore_mem>>) src(%dma_wait3A_31 : memref<640x128xf32, #tpu.memory_space<hbm>>) dst(%dma_wait3A_29 : memref<640x128xf32, #tpu.memory_space<vmem_shared>>)
        tpu.yield
      }) : () -> ()
    } else {
    }
    %barrier3A = arith.constant 0 : index
    tpu.barrier barrier_id(%barrier3A)
    %scan3A = arith.constant 0 : i32
    %scan3A_6 = arith.constant 0 : i32
    %scan3A_7 = arith.constant 250 : i32
    %scan3A_8 = arith.addi %scan3A_6, %scan3A_7 : i32
    %scan3A_9 = arith.constant 1 : i32
    scf.for %scan3A_22 = %scan3A_6 to %scan3A_8 step %scan3A_9  : i32 {
      %mul3A = arith.constant 320000 : i32
      %mul3A_23 = arith.muli %arg0, %mul3A : i32
      %mul3A_24 = arith.constant 20000 : i32
      %mul3A_25 = arith.muli %arg1, %mul3A_24 : i32
      %add3A = arith.addi %mul3A_23, %mul3A_25 : i32
      %mul3A_26 = arith.constant 80 : i32
      %mul3A_27 = arith.muli %scan3A_22, %mul3A_26 : i32
      %add3A_28 = arith.addi %add3A, %mul3A_27 : i32
      "tpu.region"() ({
        %run_scoped3A = tpu.sem_alloc : memref<!tpu.dma_semaphore, #tpu.memory_space<semaphore_mem>>
        %dma_start3A_33 = tpu.memref_slice %arg2[%add3A_28] : memref<640000xi32, #tpu.memory_space<hbm>> -> memref<80xi32, #tpu.memory_space<hbm>>
        %dma_start3A_34 = tpu.memref_slice %arg2[%add3A_28] : memref<640000xi32, #tpu.memory_space<hbm>> -> memref<80xi32, #tpu.memory_space<hbm>>
        tpu.enqueue_dma source(%dma_start3A_34 : memref<80xi32, #tpu.memory_space<hbm>>) target(%arg6 : memref<80xi32, #tpu.memory_space<vmem>>) target_semaphore(%run_scoped3A : memref<!tpu.dma_semaphore, #tpu.memory_space<semaphore_mem>>)
        %dma_wait3A_35 = tpu.memref_slice %arg2[%add3A_28] : memref<640000xi32, #tpu.memory_space<hbm>> -> memref<80xi32, #tpu.memory_space<hbm>>
        %dma_wait3A_36 = tpu.memref_slice %arg2[%add3A_28] : memref<640000xi32, #tpu.memory_space<hbm>> -> memref<80xi32, #tpu.memory_space<hbm>>
        tpu.wait_dma2 semaphore(%run_scoped3A : memref<!tpu.dma_semaphore, #tpu.memory_space<semaphore_mem>>) src(%dma_wait3A_36 : memref<80xi32, #tpu.memory_space<hbm>>) dst(%arg6 : memref<80xi32, #tpu.memory_space<vmem>>)
        tpu.yield
      }) : () -> ()
      "tpu.region"() ({
        %run_scoped3A = tpu.sem_alloc : memref<!tpu.dma_semaphore, #tpu.memory_space<semaphore_mem>>
        %dma_start3A_33 = tpu.memref_slice %arg3[%add3A_28] : memref<640000xi32, #tpu.memory_space<hbm>> -> memref<80xi32, #tpu.memory_space<hbm>>
        %dma_start3A_34 = tpu.memref_slice %arg3[%add3A_28] : memref<640000xi32, #tpu.memory_space<hbm>> -> memref<80xi32, #tpu.memory_space<hbm>>
        tpu.enqueue_dma source(%dma_start3A_34 : memref<80xi32, #tpu.memory_space<hbm>>) target(%arg7 : memref<80xi32, #tpu.memory_space<vmem>>) target_semaphore(%run_scoped3A : memref<!tpu.dma_semaphore, #tpu.memory_space<semaphore_mem>>)
        %dma_wait3A_35 = tpu.memref_slice %arg3[%add3A_28] : memref<640000xi32, #tpu.memory_space<hbm>> -> memref<80xi32, #tpu.memory_space<hbm>>
        %dma_wait3A_36 = tpu.memref_slice %arg3[%add3A_28] : memref<640000xi32, #tpu.memory_space<hbm>> -> memref<80xi32, #tpu.memory_space<hbm>>
        tpu.wait_dma2 semaphore(%run_scoped3A : memref<!tpu.dma_semaphore, #tpu.memory_space<semaphore_mem>>) src(%dma_wait3A_36 : memref<80xi32, #tpu.memory_space<hbm>>) dst(%arg7 : memref<80xi32, #tpu.memory_space<vmem>>)
        tpu.yield
      }) : () -> ()
      %dma_start3A = arith.constant 0 : i32
      %dma_start3A_29 = arith.constant 0 : i32
      %dma_start3A_30 = tpu.memref_slice %arg4[%dma_start3A, %dma_start3A_29] : memref<20000x128xf32, #tpu.memory_space<hbm>> -> memref<20000x128xf32, #tpu.memory_space<hbm>>
      tpu.enqueue_indirect_dma source(%dma_start3A_30 : memref<20000x128xf32, #tpu.memory_space<hbm>>) target(%arg8 : memref<80x128xf32, #tpu.memory_space<vmem>>) offsets(%arg6 : memref<80xi32, #tpu.memory_space<vmem>>) semaphore(%arg10 : memref<!tpu.dma_semaphore, #tpu.memory_space<semaphore_mem>>)
      %dma_wait3A = arith.constant 0 : i32
      %dma_wait3A_31 = arith.constant 0 : i32
      %dma_wait3A_32 = tpu.memref_slice %arg4[%dma_wait3A, %dma_wait3A_31] : memref<20000x128xf32, #tpu.memory_space<hbm>> -> memref<20000x128xf32, #tpu.memory_space<hbm>>
      tpu.wait_indirect_dma semaphore(%arg10 : memref<!tpu.dma_semaphore, #tpu.memory_space<semaphore_mem>>) src(%dma_wait3A_32 : memref<20000x128xf32, #tpu.memory_space<hbm>>) dst(%arg8 : memref<80x128xf32, #tpu.memory_space<vmem>>)
      "tpu.region"() ({
        %run_scoped3A = tpu.sem_alloc : memref<!tpu.dma_semaphore, #tpu.memory_space<semaphore_mem>>
        %dma_start3A_33 = arith.constant 0 : i32
        %dma_start3A_34 = arith.constant 0 : i32
        %dma_start3A_35 = tpu.memref_slice %arg9[%dma_start3A_33, %dma_start3A_34] : memref<10000x128xf32, #tpu.memory_space<vmem_shared>> -> memref<10000x128xf32, #tpu.memory_space<vmem_shared>>
        tpu.enqueue_indirect_dma source(%arg8 : memref<80x128xf32, #tpu.memory_space<vmem>>) target(%dma_start3A_35 : memref<10000x128xf32, #tpu.memory_space<vmem_shared>>) offsets(%arg7 : memref<80xi32, #tpu.memory_space<vmem>>) semaphore(%run_scoped3A : memref<!tpu.dma_semaphore, #tpu.memory_space<semaphore_mem>>) {add = true}
        %dma_wait3A_36 = arith.constant 0 : i32
        %dma_wait3A_37 = arith.constant 0 : i32
        %dma_wait3A_38 = tpu.memref_slice %arg9[%dma_wait3A_36, %dma_wait3A_37] : memref<10000x128xf32, #tpu.memory_space<vmem_shared>> -> memref<10000x128xf32, #tpu.memory_space<vmem_shared>>
        tpu.wait_indirect_dma semaphore(%run_scoped3A : memref<!tpu.dma_semaphore, #tpu.memory_space<semaphore_mem>>) src(%arg8 : memref<80x128xf32, #tpu.memory_space<vmem>>) dst(%dma_wait3A_38 : memref<10000x128xf32, #tpu.memory_space<vmem_shared>>)
        tpu.yield
      }) : () -> ()
    }
    %scan3A_10 = arith.constant 250 : i32
    %barrier3A_11 = arith.constant 0 : index
    tpu.barrier barrier_id(%barrier3A_11)
    %lt3A_12 = arith.constant 15 : i32
    %lt3A_13 = arith.cmpi slt, %arg1, %lt3A_12 : i32
    %convert_element_type3A_14 = arith.extui %lt3A_13 : i1 to i32
    %cond3A_15 = arith.constant 0 : i32
    %cond3A_16 = arith.cmpi ne, %convert_element_type3A_14, %cond3A_15 : i32
    scf.if %cond3A_16 {
      %mul3A = arith.constant 624 : i32
      %mul3A_22 = arith.muli %arg1, %mul3A : i32
      %mul3A_23 = arith.constant 10000 : i32
      %mul3A_24 = arith.muli %arg0, %mul3A_23 : i32
      %add3A = arith.addi %mul3A_24, %mul3A_22 : i32
      "tpu.region"() ({
        %run_scoped3A = tpu.sem_alloc : memref<!tpu.dma_semaphore, #tpu.memory_space<semaphore_mem>>
        %dma_start3A = arith.constant 0 : i32
        %dma_start3A_25 = tpu.memref_slice %arg5[%add3A, %dma_start3A] : memref<20000x128xf32, #tpu.memory_space<hbm>> -> memref<624x128xf32, #tpu.memory_space<hbm>>
        %dma_start3A_26 = arith.constant 0 : i32
        %dma_start3A_27 = tpu.memref_slice %arg9[%mul3A_22, %dma_start3A_26] : memref<10000x128xf32, #tpu.memory_space<vmem_shared>> -> memref<624x128xf32, #tpu.memory_space<vmem_shared>>
        tpu.enqueue_dma source(%dma_start3A_27 : memref<624x128xf32, #tpu.memory_space<vmem_shared>>) target(%dma_start3A_25 : memref<624x128xf32, #tpu.memory_space<hbm>>) target_semaphore(%run_scoped3A : memref<!tpu.dma_semaphore, #tpu.memory_space<semaphore_mem>>)
        %dma_wait3A = arith.constant 0 : i32
        %dma_wait3A_28 = tpu.memref_slice %arg5[%add3A, %dma_wait3A] : memref<20000x128xf32, #tpu.memory_space<hbm>> -> memref<624x128xf32, #tpu.memory_space<hbm>>
        %dma_wait3A_29 = arith.constant 0 : i32
        %dma_wait3A_30 = tpu.memref_slice %arg9[%mul3A_22, %dma_wait3A_29] : memref<10000x128xf32, #tpu.memory_space<vmem_shared>> -> memref<624x128xf32, #tpu.memory_space<vmem_shared>>
        tpu.wait_dma2 semaphore(%run_scoped3A : memref<!tpu.dma_semaphore, #tpu.memory_space<semaphore_mem>>) src(%dma_wait3A_30 : memref<624x128xf32, #tpu.memory_space<vmem_shared>>) dst(%dma_wait3A_28 : memref<624x128xf32, #tpu.memory_space<hbm>>)
        tpu.yield
      }) : () -> ()
    } else {
    }
    %eq3A_17 = arith.constant 15 : i32
    %eq3A_18 = arith.cmpi eq, %arg1, %eq3A_17 : i32
    %convert_element_type3A_19 = arith.extui %eq3A_18 : i1 to i32
    %cond3A_20 = arith.constant 0 : i32
    %cond3A_21 = arith.cmpi ne, %convert_element_type3A_19, %cond3A_20 : i32
    scf.if %cond3A_21 {
      %mul3A = arith.constant 10000 : i32
      %mul3A_22 = arith.muli %arg0, %mul3A : i32
      %add3A = arith.constant 9360 : i32
      %add3A_23 = arith.addi %mul3A_22, %add3A : i32
      "tpu.region"() ({
        %run_scoped3A = tpu.sem_alloc : memref<!tpu.dma_semaphore, #tpu.memory_space<semaphore_mem>>
        %dma_start3A = arith.constant 0 : i32
        %dma_start3A_24 = tpu.memref_slice %arg5[%add3A_23, %dma_start3A] : memref<20000x128xf32, #tpu.memory_space<hbm>> -> memref<640x128xf32, #tpu.memory_space<hbm>>
        %dma_start3A_25 = arith.constant 9360 : i32
        %dma_start3A_26 = arith.constant 0 : i32
        %dma_start3A_27 = tpu.memref_slice %arg9[%dma_start3A_25, %dma_start3A_26] : memref<10000x128xf32, #tpu.memory_space<vmem_shared>> -> memref<640x128xf32, #tpu.memory_space<vmem_shared>>
        tpu.enqueue_dma source(%dma_start3A_27 : memref<640x128xf32, #tpu.memory_space<vmem_shared>>) target(%dma_start3A_24 : memref<640x128xf32, #tpu.memory_space<hbm>>) target_semaphore(%run_scoped3A : memref<!tpu.dma_semaphore, #tpu.memory_space<semaphore_mem>>)
        %dma_wait3A = arith.constant 0 : i32
        %dma_wait3A_28 = tpu.memref_slice %arg5[%add3A_23, %dma_wait3A] : memref<20000x128xf32, #tpu.memory_space<hbm>> -> memref<640x128xf32, #tpu.memory_space<hbm>>
        %dma_wait3A_29 = arith.constant 9360 : i32
        %dma_wait3A_30 = arith.constant 0 : i32
        %dma_wait3A_31 = tpu.memref_slice %arg9[%dma_wait3A_29, %dma_wait3A_30] : memref<10000x128xf32, #tpu.memory_space<vmem_shared>> -> memref<640x128xf32, #tpu.memory_space<vmem_shared>>
        tpu.wait_dma2 semaphore(%run_scoped3A : memref<!tpu.dma_semaphore, #tpu.memory_space<semaphore_mem>>) src(%dma_wait3A_31 : memref<640x128xf32, #tpu.memory_space<vmem_shared>>) dst(%dma_wait3A_28 : memref<640x128xf32, #tpu.memory_space<hbm>>)
        tpu.yield
      }) : () -> ()
    } else {
    }
    return
  }
}

module attributes {stable_mosaic.version = 14 : i64} {
  func.func @_prep_body(%arg0: i32, %arg1: memref<2000x128xf32, #tpu.memory_space<vmem>>, %arg2: memref<2000x8xf32, #tpu.memory_space<vmem>>, %arg3: memref<2000x128xf32, #tpu.memory_space<vmem>>) attributes {dimension_semantics = [#tpu.dimension_semantics<arbitrary>], iteration_bounds = array<i64: 10>, scalar_prefetch = 0 : i64, scratch_operands = 0 : i64, tpu.core_type = #tpu.core_type<tc>, window_params = [{transform_indices = @transform_0, window_bounds = array<i64: 2000, 128>}, {transform_indices = @transform_1, window_bounds = array<i64: 2000, 8>}, {transform_indices = @transform_2, window_bounds = array<i64: 2000, 128>}]} {
    %get3A = arith.constant 0 : index
    %get3A_0 = arith.constant 0 : index
    %get3A_1 = vector.load %arg1[%get3A, %get3A_0] : memref<2000x128xf32, #tpu.memory_space<vmem>>, vector<2000x128xf32>
    %get3A_2 = arith.constant 0 : index
    %get3A_3 = arith.constant 0 : index
    %get3A_4 = vector.load %arg2[%get3A_2, %get3A_3] : memref<2000x8xf32, #tpu.memory_space<vmem>>, vector<2000x1xf32>
    %rsqrt3A = math.rsqrt %get3A_4 : vector<2000x1xf32>
    %mul3A = vector.broadcast %rsqrt3A : vector<2000x1xf32> to vector<2000x128xf32>
    %mul3A_5 = arith.mulf %get3A_1, %mul3A : vector<2000x128xf32>
    %swap3A = arith.constant 0 : index
    %swap3A_6 = arith.constant 0 : index
    %swap3A_7 = vector.load %arg3[%swap3A, %swap3A_6] : memref<2000x128xf32, #tpu.memory_space<vmem>>, vector<2000x128xf32>
    tpu.vector_store %arg3[%swap3A, %swap3A_6], %mul3A_5 {strides = array<i32>} : memref<2000x128xf32, #tpu.memory_space<vmem>>, vector<2000x128xf32>,
    return
  }
  func.func @transform_0(%arg0: i32) -> (i32, i32) {
    %c0_i32 = arith.constant 0 : i32
    %c0_i32_0 = arith.constant 0 : i32
    return %arg0, %c0_i32 : i32, i32
  }
  func.func @transform_1(%arg0: i32) -> (i32, i32) {
    %c0_i32 = arith.constant 0 : i32
    %c0_i32_0 = arith.constant 0 : i32
    return %arg0, %c0_i32 : i32, i32
  }
  func.func @transform_2(%arg0: i32) -> (i32, i32) {
    %c0_i32 = arith.constant 0 : i32
    %c0_i32_0 = arith.constant 0 : i32
    return %arg0, %c0_i32 : i32, i32
  }
}

module attributes {stable_mosaic.version = 14 : i64} {
  func.func @_mlp_body(%arg0: i32, %arg1: memref<1000x128xf32, #tpu.memory_space<vmem>>, %arg2: memref<1000x8xf32, #tpu.memory_space<vmem>>, %arg3: memref<128x256xf32, #tpu.memory_space<vmem>>, %arg4: memref<1x256xf32, #tpu.memory_space<vmem>>, %arg5: memref<128x256xf32, #tpu.memory_space<vmem>>, %arg6: memref<1x128xf32, #tpu.memory_space<vmem>>, %arg7: memref<64x128xf32, #tpu.memory_space<vmem>>, %arg8: memref<1x64xf32, #tpu.memory_space<vmem>>, %arg9: memref<2x64xf32, #tpu.memory_space<vmem>>) attributes {dimension_semantics = [#tpu.dimension_semantics<arbitrary>], iteration_bounds = array<i64: 20>, scalar_prefetch = 0 : i64, scratch_operands = 0 : i64, tpu.core_type = #tpu.core_type<tc>, window_params = [{transform_indices = @transform_0, window_bounds = array<i64: 1000, 128>}, {transform_indices = @transform_1, window_bounds = array<i64: 1000, 8>}, {pipeline_mode = #tpu.pipeline_mode<synchronous>, transform_indices = @transform_2, window_bounds = array<i64: 128, 256>}, {pipeline_mode = #tpu.pipeline_mode<synchronous>, transform_indices = @transform_3, window_bounds = array<i64: 1, 256>}, {pipeline_mode = #tpu.pipeline_mode<synchronous>, transform_indices = @transform_4, window_bounds = array<i64: 128, 256>}, {pipeline_mode = #tpu.pipeline_mode<synchronous>, transform_indices = @transform_5, window_bounds = array<i64: 1, 128>}, {pipeline_mode = #tpu.pipeline_mode<synchronous>, transform_indices = @transform_6, window_bounds = array<i64: 64, 128>}, {pipeline_mode = #tpu.pipeline_mode<synchronous>, transform_indices = @transform_7, window_bounds = array<i64: 1, 64>}, {pipeline_mode = #tpu.pipeline_mode<synchronous>, transform_indices = @transform_8, window_bounds = array<i64: 2, 64>}]} {
    %jit3A = arith.constant 10 : i32
    %div3A = arith.divsi %arg0, %jit3A : i32
    %sign3A = arith.constant 0 : i32
    %sign3A_0 = arith.cmpi sgt, %arg0, %sign3A : i32
    %sign3A_1 = arith.extui %sign3A_0 : i1 to i32
    %sign3A_2 = arith.constant 0 : i32
    %sign3A_3 = arith.cmpi slt, %arg0, %sign3A_2 : i32
    %sign3A_4 = arith.extui %sign3A_3 : i1 to i32
    %sign3A_5 = arith.subi %sign3A_1, %sign3A_4 : i32
    %sign3A_6 = arith.constant 0 : i32
    %sign3A_7 = arith.cmpi sgt, %jit3A, %sign3A_6 : i32
    %sign3A_8 = arith.extui %sign3A_7 : i1 to i32
    %sign3A_9 = arith.constant 0 : i32
    %sign3A_10 = arith.cmpi slt, %jit3A, %sign3A_9 : i32
    %sign3A_11 = arith.extui %sign3A_10 : i1 to i32
    %sign3A_12 = arith.subi %sign3A_8, %sign3A_11 : i32
    %ne3A = arith.cmpi ne, %sign3A_5, %sign3A_12 : i32
    %rem3A = arith.remsi %arg0, %jit3A : i32
    %ne3A_13 = arith.constant 0 : i32
    %ne3A_14 = arith.cmpi ne, %rem3A, %ne3A_13 : i32
    %and3A = arith.andi %ne3A, %ne3A_14 : i1
    %sub3A = arith.constant 1 : i32
    %sub3A_15 = arith.subi %div3A, %sub3A : i32
    %select_n3A = arith.select %and3A, %sub3A_15, %div3A : i32
    %get3A = arith.constant 0 : index
    %get3A_16 = arith.constant 0 : index
    %get3A_17 = vector.load %arg1[%get3A, %get3A_16] : memref<1000x128xf32, #tpu.memory_space<vmem>>, vector<1000x128xf32>
    %get3A_18 = arith.constant 0 : index
    %get3A_19 = arith.constant 0 : index
    %get3A_20 = vector.load %arg2[%get3A_18, %get3A_19] : memref<1000x8xf32, #tpu.memory_space<vmem>>, vector<1000x1xf32>
    %rsqrt3A = math.rsqrt %get3A_20 : vector<1000x1xf32>
    %mul3A = vector.broadcast %rsqrt3A : vector<1000x1xf32> to vector<1000x128xf32>
    %mul3A_21 = arith.mulf %get3A_17, %mul3A : vector<1000x128xf32>
    %get3A_22 = arith.constant 0 : index
    %get3A_23 = arith.constant 0 : index
    %get3A_24 = vector.load %arg3[%get3A_22, %get3A_23] : memref<128x256xf32, #tpu.memory_space<vmem>>, vector<128x256xf32>
    %dot_general3A = arith.constant dense<0.000000e+00> : vector<1000x256xf32>
    %dot_general3A_25 = tpu.matmul %mul3A_21, %get3A_24, %dot_general3A {dimension_numbers = #tpu.dot_dimension_numbers<[1], [0], [0], [1], [0, 0, 1, 1], [], []>, transpose_lhs_hint = false} : vector<1000x128xf32>, vector<128x256xf32>, vector<1000x256xf32> -> vector<1000x256xf32>
    %get3A_26 = arith.constant 0 : index
    %get3A_27 = arith.constant 0 : index
    %get3A_28 = vector.load %arg4[%get3A_26, %get3A_27] : memref<1x256xf32, #tpu.memory_space<vmem>>, vector<1x256xf32>
    %add3A = vector.broadcast %get3A_28 : vector<1x256xf32> to vector<1000x256xf32>
    %add3A_29 = arith.addf %dot_general3A_25, %add3A : vector<1000x256xf32>
    %max3A = arith.constant 0.000000e+00 : f32
    %max3A_30 = vector.broadcast %max3A : f32 to vector<1000x256xf32>
    %max3A_31 = arith.maximumf %add3A_29, %max3A_30 : vector<1000x256xf32>
    %get3A_32 = arith.constant 0 : index
    %get3A_33 = arith.constant 0 : index
    %get3A_34 = vector.load %arg5[%get3A_32, %get3A_33] : memref<128x256xf32, #tpu.memory_space<vmem>>, vector<128x256xf32>
    %dot_general3A_35 = arith.constant dense<0.000000e+00> : vector<1000x128xf32>
    %dot_general3A_36 = tpu.matmul %max3A_31, %get3A_34, %dot_general3A_35 {dimension_numbers = #tpu.dot_dimension_numbers<[1], [1], [0], [0], [0, 0, 1, 0], [], []>, transpose_lhs_hint = false} : vector<1000x256xf32>, vector<128x256xf32>, vector<1000x128xf32> -> vector<1000x128xf32>
    %get3A_37 = arith.constant 0 : index
    %get3A_38 = arith.constant 0 : index
    %get3A_39 = vector.load %arg6[%get3A_37, %get3A_38] : memref<1x128xf32, #tpu.memory_space<vmem>>, vector<1x128xf32>
    %add3A_40 = vector.broadcast %get3A_39 : vector<1x128xf32> to vector<1000x128xf32>
    %add3A_41 = arith.addf %dot_general3A_36, %add3A_40 : vector<1000x128xf32>
    %max3A_42 = arith.constant 0.000000e+00 : f32
    %max3A_43 = vector.broadcast %max3A_42 : f32 to vector<1000x128xf32>
    %max3A_44 = arith.maximumf %add3A_41, %max3A_43 : vector<1000x128xf32>
    %get3A_45 = arith.constant 0 : index
    %get3A_46 = arith.constant 0 : index
    %get3A_47 = vector.load %arg7[%get3A_45, %get3A_46] : memref<64x128xf32, #tpu.memory_space<vmem>>, vector<64x128xf32>
    %dot_general3A_48 = arith.constant dense<0.000000e+00> : vector<1000x64xf32>
    %dot_general3A_49 = tpu.matmul %max3A_44, %get3A_47, %dot_general3A_48 {dimension_numbers = #tpu.dot_dimension_numbers<[1], [1], [0], [0], [0, 0, 1, 0], [], []>, transpose_lhs_hint = false} : vector<1000x128xf32>, vector<64x128xf32>, vector<1000x64xf32> -> vector<1000x64xf32>
    %get3A_50 = arith.constant 0 : index
    %get3A_51 = arith.constant 0 : index
    %get3A_52 = vector.load %arg8[%get3A_50, %get3A_51] : memref<1x64xf32, #tpu.memory_space<vmem>>, vector<1x64xf32>
    %add3A_53 = vector.broadcast %get3A_52 : vector<1x64xf32> to vector<1000x64xf32>
    %add3A_54 = arith.addf %dot_general3A_49, %add3A_53 : vector<1000x64xf32>
    %max3A_55 = arith.constant 0.000000e+00 : f32
    %max3A_56 = vector.broadcast %max3A_55 : f32 to vector<1000x64xf32>
    %max3A_57 = arith.maximumf %add3A_54, %max3A_56 : vector<1000x64xf32>
    %reduce_sum3A = arith.constant dense<0.000000e+00> : vector<64xf32>
    %reduce_sum3A_58 = vector.multi_reduction <add>, %max3A_57, %reduce_sum3A [0] : vector<1000x64xf32> to vector<64xf32>
    %broadcast_in_dim3A = vector.shape_cast %reduce_sum3A_58 : vector<64xf32> to vector<1x64xf32>
    %eq3A = arith.constant 0 : i32
    %eq3A_59 = arith.cmpi eq, %arg0, %eq3A : i32
    %convert_element_type3A = arith.extui %eq3A_59 : i1 to i32
    %cond3A = arith.constant 0 : i32
    %cond3A_60 = arith.cmpi ne, %convert_element_type3A, %cond3A : i32
    scf.if %cond3A_60 {
      %broadcast_in_dim3A_81 = arith.constant 0.000000e+00 : f32
      %broadcast_in_dim3A_82 = vector.broadcast %broadcast_in_dim3A_81 : f32 to vector<2x64xf32>
      %swap3A_83 = arith.constant 0 : index
      %swap3A_84 = arith.constant 0 : index
      %swap3A_85 = vector.load %arg9[%swap3A_83, %swap3A_84] : memref<2x64xf32, #tpu.memory_space<vmem>>, vector<2x64xf32>
      tpu.vector_store %arg9[%swap3A_83, %swap3A_84], %broadcast_in_dim3A_82 {strides = array<i32>} : memref<2x64xf32, #tpu.memory_space<vmem>>, vector<2x64xf32>,
    } else {
    }
    %iota3A = tpu.iota {dimensions = array<i32: 0>} : vector<2x1xi32>
    %eq3A_61 = vector.broadcast %select_n3A : i32 to vector<2x1xi32>
    %eq3A_62 = arith.cmpi eq, %iota3A, %eq3A_61 : vector<2x1xi32>
    %get3A_63 = arith.constant 0 : index
    %get3A_64 = arith.constant 0 : index
    %get3A_65 = vector.load %arg9[%get3A_63, %get3A_64] : memref<2x64xf32, #tpu.memory_space<vmem>>, vector<2x64xf32>
    %jit3A_66 = arith.constant 0.000000e+00 : f32
    %broadcast_in_dim3A_67 = vector.shape_cast %eq3A_62 : vector<2x1xi1> to vector<2x1xi1>
    %broadcast_in_dim3A_68 = vector.broadcast %broadcast_in_dim3A_67 : vector<2x1xi1> to vector<2x64xi1>
    %broadcast_in_dim3A_69 = vector.shape_cast %broadcast_in_dim3A : vector<1x64xf32> to vector<1x64xf32>
    %broadcast_in_dim3A_70 = vector.broadcast %broadcast_in_dim3A_69 : vector<1x64xf32> to vector<2x64xf32>
    %broadcast_in_dim3A_71 = vector.broadcast %jit3A_66 : f32 to vector<2x64xf32>
    %select_n3A_72 = arith.select %broadcast_in_dim3A_68, %broadcast_in_dim3A_70, %broadcast_in_dim3A_71 : vector<2x64xi1>, vector<2x64xf32>
    %add3A_73 = arith.addf %get3A_65, %select_n3A_72 : vector<2x64xf32>
    %swap3A = arith.constant 0 : index
    %swap3A_74 = arith.constant 0 : index
    %swap3A_75 = vector.load %arg9[%swap3A, %swap3A_74] : memref<2x64xf32, #tpu.memory_space<vmem>>, vector<2x64xf32>
    tpu.vector_store %arg9[%swap3A, %swap3A_74], %add3A_73 {strides = array<i32>} : memref<2x64xf32, #tpu.memory_space<vmem>>, vector<2x64xf32>,
    %eq3A_76 = arith.constant 19 : i32
    %eq3A_77 = arith.cmpi eq, %arg0, %eq3A_76 : i32
    %convert_element_type3A_78 = arith.extui %eq3A_77 : i1 to i32
    %cond3A_79 = arith.constant 0 : i32
    %cond3A_80 = arith.cmpi ne, %convert_element_type3A_78, %cond3A_79 : i32
    scf.if %cond3A_80 {
      %get3A_81 = arith.constant 0 : index
      %get3A_82 = arith.constant 0 : index
      %get3A_83 = vector.load %arg9[%get3A_81, %get3A_82] : memref<2x64xf32, #tpu.memory_space<vmem>>, vector<2x64xf32>
      %mul3A_84 = arith.constant 9.99999974E-5 : f32
      %mul3A_85 = vector.broadcast %mul3A_84 : f32 to vector<2x64xf32>
      %mul3A_86 = arith.mulf %get3A_83, %mul3A_85 : vector<2x64xf32>
      %swap3A_87 = arith.constant 0 : index
      %swap3A_88 = arith.constant 0 : index
      %swap3A_89 = vector.load %arg9[%swap3A_87, %swap3A_88] : memref<2x64xf32, #tpu.memory_space<vmem>>, vector<2x64xf32>
      tpu.vector_store %arg9[%swap3A_87, %swap3A_88], %mul3A_86 {strides = array<i32>} : memref<2x64xf32, #tpu.memory_space<vmem>>, vector<2x64xf32>,
    } else {
    }
    return
  }
  func.func @transform_0(%arg0: i32) -> (i32, i32) {
    %c0_i32 = arith.constant 0 : i32
    %c0_i32_0 = arith.constant 0 : i32
    return %arg0, %c0_i32 : i32, i32
  }
  func.func @transform_1(%arg0: i32) -> (i32, i32) {
    %c0_i32 = arith.constant 0 : i32
    %c0_i32_0 = arith.constant 0 : i32
    return %arg0, %c0_i32 : i32, i32
  }
  func.func @transform_2(%arg0: i32) -> (i32, i32) {
    %c0_i32 = arith.constant 0 : i32
    %c0_i32_0 = arith.constant 0 : i32
    %c0_i32_1 = arith.constant 0 : i32
    return %c0_i32, %c0_i32_0 : i32, i32
  }
  func.func @transform_3(%arg0: i32) -> (i32, i32) {
    %c0_i32 = arith.constant 0 : i32
    %c0_i32_0 = arith.constant 0 : i32
    %c0_i32_1 = arith.constant 0 : i32
    return %c0_i32, %c0_i32_0 : i32, i32
  }
  func.func @transform_4(%arg0: i32) -> (i32, i32) {
    %c0_i32 = arith.constant 0 : i32
    %c0_i32_0 = arith.constant 0 : i32
    %c0_i32_1 = arith.constant 0 : i32
    return %c0_i32, %c0_i32_0 : i32, i32
  }
  func.func @transform_5(%arg0: i32) -> (i32, i32) {
    %c0_i32 = arith.constant 0 : i32
    %c0_i32_0 = arith.constant 0 : i32
    %c0_i32_1 = arith.constant 0 : i32
    return %c0_i32, %c0_i32_0 : i32, i32
  }
  func.func @transform_6(%arg0: i32) -> (i32, i32) {
    %c0_i32 = arith.constant 0 : i32
    %c0_i32_0 = arith.constant 0 : i32
    %c0_i32_1 = arith.constant 0 : i32
    return %c0_i32, %c0_i32_0 : i32, i32
  }
  func.func @transform_7(%arg0: i32) -> (i32, i32) {
    %c0_i32 = arith.constant 0 : i32
    %c0_i32_0 = arith.constant 0 : i32
    %c0_i32_1 = arith.constant 0 : i32
    return %c0_i32, %c0_i32_0 : i32, i32
  }
  func.func @transform_8(%arg0: i32) -> (i32, i32) {
    %c0_i32 = arith.constant 0 : i32
    %c0_i32_0 = arith.constant 0 : i32
    %c0_i32_1 = arith.constant 0 : i32
    return %c0_i32, %c0_i32_0 : i32, i32
  }
}

</mosaic_0001>

<sc_bundles>
// kernel: kernel.6.cloned.1.call-start
scs
__scs_entry_jumppad:
0x0: {  	(pc) =	sbr.rel $0x88, $3  }
0x1: {  	(tag) =	ssettag $0x0;
	lr =	simm.s32 $0x1  }
0x2: {  	[smem:$0x3F97] =	sst lr;
	_ =	strace $0xD0000000  }
0x3: {  	_ = 	snop  }
0x4: {  	_ = 	snop  }
0x5: {  	_ = 	snop  }
0x6: {  	_ = 	snop  }
0x7: {  	_ = 	snop  }
__scs_overlays_trampoline_lowered:
0x8: {  	[smem:$0x3FA6] =	sst s0  }
0x9: {  	[smem:$0x3FA7] =	sst s1  }
0xa: {  	[smem:$0x3FA8] =	sst s2  }
0xb: {  	[smem:$0x3FA9] =	sst s3  }
0xc: {  	[smem:$0x3FAA] =	sst s4  }
0xd: {  	[smem:$0x3FAB] =	sst s5  }
0xe: {  	[smem:$0x3FAC] =	sst s6  }
0xf: {  	[smem:$0x3FAD] =	sst s7  }
0x10: {  	[smem:$0x3FAE] =	sst s8  }
0x11: {  	[smem:$0x3FAF] =	sst s9;
	s0 =	simm.s32 @!p0 $0x0  }
0x12: {  	s1 =	sld [smem:$0x3F95];
	s0 =	simm.s32 @p0 $0x1  }
0x13: {  	[smem:$0x3FB0] =	sst s0;
	s0 =	simm.s32 @!p1 $0x0  }
0x14: {  	s2 =	sld [smem:$0x3F94];
	s0 =	simm.s32 @p1 $0x1  }
0x15: {  	[smem:$0x3FB1] =	sst s0;
	s0 =	simm.s32 @!p2 $0x0  }
0x16: {  	s3 =	sld [smem:$0x3FDB];
	s0 =	simm.s32 @p2 $0x1  }
0x17: {  	s4 =	simm.s32 $0x1BF5;
	[smem:$0x3FB3] =	sst s0  }
0x18: {  	s0 =	sld [smem:$0x3F96];
	_ =	swait.ge [sflag:s4], $0x0  }
0x19: {  	s7 =	sld [smem:$0x3F97]  }
0x1a: {  	s8 =	sadd.s32 $0xFFFFE003, lr  }
0x1b: {  	s9 =	sadd.s32 $0xFFFFFEF7, lr;
	s5 =	simm.s32 $0xFFFFFFFF;
	p2 =	slt.u32 s8, $0xFFFFF086  }
0x1c: {  	p1 =	slt.u32 s9, $0xF7A;
	s5 =	simm.s32 @!p2 $0x0  }
0x1d: {  	s5 =	simm.s32 @p1 $0x1;
	p0 =	seq.s32 s7, s2  }
0x1e: {  	s7 =	smul.u32 @!p0 $0xF7A, s2;
	p2 =	seq.s32 @!p0 s5, $0x0  }
0x1f: {  	s9 =	smul.u32 $0xF7A, s1;
	s8 =	simm.s32 @!p0 $0x1BF5;
	p2 =	por !p2, p0  }
0x20: {  	[sflag:s8] =	ssyncset.s32 @!p0 $0xFFFFF086;
	s6 =	sadd.s32 @!p0 s3, s7;
	s7 =	simm.s32 @!p0 $0x108  }
0x21: {  	s3 =	sadd.s32 s3, s9;
	s6 =	sadd.s32 @!p0 $0x88, s6;
	s7 =	simm.s32 @p2 $0x1082  }
0x22: {  	[simem:s7], [sflag:s8] =	dma.local @!p0 [hbm:s6], $0xF7A  }
0x23: {  	s9 =	sor.u32 $0xD0000000, s2;
	s6 =	simm.s32 $0x108;
	_ =	swait.ge @!p0 [sflag:s8], $0x0  }
0x24: {  	s3 =	sadd.s32 $0x88, s3;
	s6 =	simm.s32 @!p1 $0x1082;
	[sflag:s4] =	ssyncset.s32 $0xFFFFF086  }
0x25: {  	[simem:s6], [sflag:s4] =	dma.local [hbm:s3], $0xF7A  }
0x26: {  	[smem:$0x3F97] =	sst s1;
	(tag) =	ssettag s2;
	_ =	strace s9  }
0x27: {  	s1 =	sld [smem:$0x3FA7]  }
0x28: {  	s2 =	sld [smem:$0x3FA8]  }
0x29: {  	s4 =	sld [smem:$0x3FAA]  }
0x2a: {  	p0 =	seq.s32 s5, $0x0;
	s5 =	sld [smem:$0x3FAB]  }
0x2b: {  	s6 =	sld [smem:$0x3FAC]  }
0x2c: {  	s7 =	sld [smem:$0x3FAD]  }
0x2d: {  	s3 =	simm.s32 $0x108;
	s8 =	sld [smem:$0x3FAE]  }
0x2e: {  	s3 =	simm.s32 @!p0 $0x1082;
	s9 =	sld [smem:$0x3FAF]  }
0x2f: {  	lr =	sadd.s32 s0, s3;
	s0 =	sld [smem:$0x3FA6]  }
0x30: {  	s3 =	sld [smem:$0x3FA9]  }
0x31: {  	[smem:$0x3FB2] =	sst s10  }
0x32: {  	s10 =	sld [smem:$0x3FB0];
	_ =	sdelay $0x3  }
0x33: {  	p0 =	seq.s32 s10, $0x1;
	s10 =	sld [smem:$0x3FB2];
	_ =	sdelay $0x3  }
0x34: {  	[smem:$0x3FB2] =	sst s10  }
0x35: {  	s10 =	sld [smem:$0x3FB1];
	_ =	sdelay $0x3  }
0x36: {  	p1 =	seq.s32 s10, $0x1;
	s10 =	sld [smem:$0x3FB2];
	_ =	sdelay $0x3  }
0x37: {  	[smem:$0x3FB2] =	sst s10  }
0x38: {  	s10 =	sld [smem:$0x3FB3]  }
0x39: {  	_ = 	snop;
	(pc) =	sbr.ind lr, $3  }
0x3a: {  	_ = 	snop  }
0x3b: {  	_ = 	snop  }
0x3c: {  	p2 =	seq.s32 s10, $0x1;
	s10 =	sld [smem:$0x3FB2]  }
0x3d: {  	_ =	shalt  }
0x3e: {  	_ =	shalt  }
0x3f: {  	_ =	shalt  }
0x40: {  	_ =	shalt  }
0x41: {  	_ =	shalt  }
0x42: {  	_ =	shalt  }
0x43: {  	_ =	shalt  }
0x44: {  	_ =	shalt  }
0x45: {  	_ =	shalt  }
0x46: {  	_ =	shalt  }
0x47: {  	_ =	shalt  }
0x48: {  	_ =	shalt  }
0x49: {  	_ =	shalt  }
0x4a: {  	_ =	shalt  }
0x4b: {  	_ =	shalt  }
0x4c: {  	_ =	shalt  }
0x4d: {  	_ =	shalt  }
0x4e: {  	_ =	shalt  }
0x4f: {  	_ =	shalt  }
0x50: {  	_ =	shalt  }
0x51: {  	_ =	shalt  }
0x52: {  	_ =	shalt  }
0x53: {  	_ =	shalt  }
0x54: {  	_ =	shalt  }
0x55: {  	_ =	shalt  }
0x56: {  	_ =	shalt  }
0x57: {  	_ =	shalt  }
0x58: {  	_ =	shalt  }
0x59: {  	_ =	shalt  }
0x5a: {  	_ =	shalt  }
0x5b: {  	_ =	shalt  }
0x5c: {  	_ =	shalt  }
0x5d: {  	_ =	shalt  }
0x5e: {  	_ =	shalt  }
0x5f: {  	_ =	shalt  }
0x60: {  	_ =	shalt  }
0x61: {  	_ =	shalt  }
0x62: {  	_ =	shalt  }
0x63: {  	_ =	shalt  }
0x64: {  	_ =	shalt  }
0x65: {  	_ =	shalt  }
0x66: {  	_ =	shalt  }
0x67: {  	_ =	shalt  }
0x68: {  	_ =	shalt  }
0x69: {  	_ =	shalt  }
0x6a: {  	_ =	shalt  }
0x6b: {  	_ =	shalt  }
0x6c: {  	_ =	shalt  }
0x6d: {  	_ =	shalt  }
0x6e: {  	_ =	shalt  }
0x6f: {  	_ =	shalt  }
0x70: {  	_ =	shalt  }
0x71: {  	_ =	shalt  }
0x72: {  	_ =	shalt  }
0x73: {  	_ =	shalt  }
0x74: {  	_ =	shalt  }
0x75: {  	_ =	shalt  }
0x76: {  	_ =	shalt  }
0x77: {  	_ =	shalt  }
0x78: {  	_ =	shalt  }
0x79: {  	_ =	shalt  }
0x7a: {  	_ =	shalt  }
0x7b: {  	_ =	shalt  }
0x7c: {  	_ =	shalt  }
0x7d: {  	_ =	shalt  }
0x7e: {  	_ =	shalt  }
0x7f: {  	_ =	shalt  }
0x80: {  	_ =	shalt  }
0x81: {  	_ =	shalt  }
0x82: {  	_ =	shalt  }
0x83: {  	_ =	shalt  }
0x84: {  	_ =	shalt  }
0x85: {  	_ =	shalt  }
0x86: {  	_ =	shalt  }
0x87: {  	_ =	shalt  }
.Lfunc_end0:
.L_simem_size_0:
called_computation_lowered:
.L_overlay_start_0:
0x88: {  	s2 =	sld [smem:$0x3FD9]  }
0x89: {  	s3 =	sld [smem:$0x3FFE];
	_ =	sdelay $0x1  }
0x8a: {  	s1 =	srdreg.scid  }
0x8b: {  	s0 =	sand.u32 $0x1, s1  }
0x8c: {  	s16 =	sshll.u32 s0, $0xA;
	s2 =	sadd.s32 s3, s2  }
0x8d: {  	s2 =	sadd.s32 s2, s16  }
0x8e: {  	[smem:$0x3FBE] =	sst s2  }
0x8f: {  	_ = 	snop  }
0x90: {  	(tm) =	ssettm $0x1  }
0x91: {  	s17 =	sld [smem:$0x3FFB];
	_ =	sdelay $0x3  }
0x92: {  	_ =	strace s17  }
0x93: {  	s2 =	sld [smem:$0x3FFC];
	_ =	sdelay $0x3  }
0x94: {  	_ =	strace s2  }
0x95: {  	s2 =	sld [smem:$0x3FFD];
	_ =	sdelay $0x3  }
0x96: {  	_ =	strace s2  }
0x97: {  	_ =	strace $0x8FFFFFFF  }
0x98: {  	s18 =	sld [smem:$0x3FDB];
	_ =	sdelay $0x1  }
0x99: {  	s19 =	simm.s32 $_scs_section_size  }
0x9a: {  	s4 =	simm.s32 $_size__tile_overlayer_lowered;
	s5 =	simm.s32 $_tile_overlayer_lowered  }
0x9b: {  	s22 =	simm.s32 $0x1BFF;
	s21 =	sshll.u32 s5, $0x1;
	s2 =	sadd.s32 s19, s18  }
0x9c: {  	s6 =	simm.s32 $0x0;
	s20 =	sshll.u32 s4, $0x1;
	s4 =	sadd.s32 s21, s2  }
0x9d: {  	[timem:s6], [sflag:s22] =	dma.local [hbm:s4], s20  }
0x9e: {  	_ =	swait.ge [sflag:s22], s20  }
0x9f: {  	s3 =	ssub.s32 $0x0, s20;
	[sflag:s22] =	ssyncset.done $0x0  }
0xa0: {  	[sflag:s22] =	ssyncadd.s32 s3;
	_ =	sdelay $0x1  }
0xa1: {  	s23 =	simm.s32 $0x1B8B  }
0xa2: {  	_ =	swait.ge [sflag:s23], $0x1  }
0xa3: {  	[sflag:s23] =	ssyncset.done $0x0  }
0xa4: {  	s25 =	simm.s32 $0x1B8E;
	s24 =	sld [smem:$0x3FFE];
	[sflag:s23] =	ssyncadd.s32 $0xFFFFFFFF  }
0xa5: {  	s26 =	simm.s32 $execute0_lowered;
	[smem:$0x3FD2] =	sst s25  }
0xa6: {  	s4 =	sshll.u32 s26, $0x1;
	_ =	strace $0x80000046;
	[dreg:$0x1] =	wrdreg $0xFFFFFFFF  }
0xa7: {  	s28 =	simm.s32 $_size_execute0_lowered;
	s2 =	sadd.s32 s2, s4;
	[dreg:$0x0] =	wrdreg $0x0  }
0xa8: {  	s4 =	sshll.u32 s28, $0x1;
	[dreg:$0x2] =	wrdreg s2  }
0xa9: {  	[dreg:$0x3] =	wrdreg s4  }
0xaa: {  	[dreg:$0x4] =	wrdreg $0xC0  }
0xab: {  	_ =	task [dreg:s6], $0x5FFFF  }
0xac: {  	[dreg:$0x1] =	wrdreg $0xFFFFFFFF  }
0xad: {  	[dreg:$0x0] =	wrdreg $0x60  }
0xae: {  	[dreg:$0x2] =	wrdreg s24  }
0xaf: {  	[dreg:$0x3] =	wrdreg $0x28800  }
0xb0: {  	[dreg:$0x4] =	wrdreg $0x9  }
0xb1: {  	_ =	task.clear_ibuf [dreg:s6], $0x5FFFF;
	_ =	strace $0x90000046  }
0xb2: {  	s29 =	simm.s32 $0x9;
	_ =	strace $0x80000048  }
0xb3: {  	_ =	swait.ge [sflag:s29], $0x1  }
0xb4: {  	[sflag:s29] =	ssyncadd.s32 $0xFFFFFFFF  }
0xb5: {  	_ =	strace $0x90000048  }
0xb6: {  	_ =	sfence  }
0xb7: {  	s30 =	sld [smem:$0x0];
	_ =	sdelay $0x2  }
0xb8: {  	s31 =	sshll.u32 s1, $0xD;
	s1 =	sshrl.u32 s1, $0x2  }
0xb9: {  	s3 =	sand.u32 $0x4000, s31;
	s1 =	sadd.s32 s1, s30  }
0xba: {  	s0 =	sor.u32 s3, s0;
	s1 =	sshll.u32 s1, $0x11  }
0xbb: {  	s0 =	sor.u32 s1, s0  }
0xbc: {  	s0 =	sadd.s32 $0x8F2B, s0  }
0xbd: {  	[sflag:s0] =	ssyncadd.remote.s32 $0x1  }
0xbe: {  	_ =	sfence.sel $0xFFFF  }
0xbf: {  	[dreg:$0x0] =	wrdreg $0xFFFFFFFF;
	(pc) =	sbr.abs _section_cstart, $3  }
0xc0: {  	[dreg:$0x1] =	wrdreg $0xFFFFFFFF  }
0xc1: {  	_ =	task.clear_ibuf [dreg:s6], $0x2FFFF;
	_ =	strace $0x9FFFFFFF  }
0xc2: {  	(tm) =	ssettm $0x7FFFFFFF  }
0xc3: {  	_ =	shalt  }
tec
execute0_lowered:
.L_overlay_start_1:
0x0: {  	(tag) =	ssettag $0x1  }
0x1: {  	s0 =	srdreg.scid;
	s5 =	rddreg [dreg:$0x0]  }
0x2: {  	s2 =	rddreg [dreg:$0x1];
	s6 =	sand.u32 $0x1, s0  }
0x3: {  	s0 =	stileid.u32;
	s4 =	smul.u32 $0x4E200, s6  }
0x4: {  	s1 =	rddreg [dreg:$0x2];
	s3 =	simm.s32 $0x0;
	s7 =	smul.u32 $0x4E20, s0  }
0x5: {  	s14 =	simm.s32 $0x50;
	s15 =	simm.s32 $0x0;
	s29 =	smul.u32 $0x4E000, s0  }
0x6: {  	[smem:$0x7FF] =	sst s3;
	s13 =	sadd.s32 $0x50E00, s5;
	s8 =	smul.u32 $0x27100, s6  }
0x7: {  	_ =	strace $0x80000047;
	s10 =	ssub.s32 $0x2, s6;
	s11 =	smul.u32 $0x2700, s0  }
0x8: {  	s6 =	smul.u32 $0x138800, s6;
	p0 =	seq.s32 s0, $0xF;
	s12 =	sshrl.u32 s10, $0x1  }
0x9: {  	s4 =	sadd.s32 s7, s4;
	s10 =	ssub.s32 s10, s12;
	s30 =	sshrl.u32 s29, $0x2  }
0xa: {  	s31 =	sadd.s32 s11, s8;
	s6 =	sshrl.u32 s6, $0x3;
	s11 =	sadd.s32 $0x124800, s2  }
0xb: {  	s4 =	sshrl.u32 s4, $0x3;
	s12 =	sadd.s32 s30, s2;
	s6 =	sadd.s32 s13, s6  }
0xc: {  	s7 =	smax.u32 s10, $0x1;
	s10 =	sshll.u32 @!p0 s0, $0x6;
	s9 =	sadd.s32 s4, s5  }
0xd: {  	s4 =	sadd.s32 $0x29C00, s5;
	s5 =	sadd.s32 s13, s31;
	s6 =	sadd.s32 $0x24900, s6  }
0xe: {  	s10 =	sor.u32 @!p0 $0x1C01, s10;
	s13 =	simm.s32 $0x1;
	s8 =	sadd.s32 $0x16200, s9  }
0xf: {  	s9 =	sshrl.u32 @p0 s11, $0x3;
	s11 =	sshrl.u32 @!p0 s12, $0x3;
	s12 =	simm.s32 $0x80  }
.LBB2_1:
0x10: {  	s16 =	simm.s32 @p0 $0x1FC1  }
0x11: {  	[spmem:s9], [sflag:s16] =	dma.local @p0 [hbm:s4], $0x2800  }
0x12: {  	s16 =	simm.s32 @p0 $0x1  }
0x13: {  	_ =	swait.ge @p0 [sflag:s16], $0x2800  }
0x14: {  	[sflag:s16] =	ssyncset.done @p0 $0x0  }
0x15: {  	[sflag:s16] =	ssyncadd.s32 @p0 $0xFFFFD800;
	s16 =	simm.s32 @!p0 $0x1  }
0x16: {  	[spmem:s11], [sflag:s10] =	dma.local @!p0 [hbm:s4], $0x2700  }
0x17: {  	_ =	swait.ge @!p0 [sflag:s16], $0x2700  }
0x18: {  	[sflag:s16] =	ssyncset.done @!p0 $0x0  }
0x19: {  	[sflag:s16] =	ssyncadd.s32 @!p0 $0xFFFFD900  }
0x1a: {  	[tilespmem:s12], [sflag:$0x1] =	stream.linear.gather [hbm4b:s4+s3], $0x2800, $0x38;
	[tilespmem:$0x3C08] =	vst v63  }
0x1b: {  	_ =	swait.ge [sflag:s13], $0x2800  }
0x1c: {  	[sflag:s13] =	ssyncset.done $0x0  }
0x1d: {  	[sflag:s13] =	ssyncadd.s32 $0xFFFFD800  }
0x1e: {  	s31 =	sadd.s32 $0x0, s8;
	[bflag:$0x0] =	sbarrier.arrive $0xFFFF  }
0x1f: {  	[tilespmem:s3], [sflag:$0x1] =	stream.linear.gather [hbm4b:s31+s3], $0x50, $0x38;
	[tilespmem:$0x3C08] =	vst v63  }
0x20: {  	_ =	swait.ge [sflag:s13], $0x50  }
0x21: {  	[sflag:s13] =	ssyncset.done $0x0  }
0x22: {  	[sflag:s13] =	ssyncadd.s32 $0xFFFFFFB0  }
0x23: {  	[spmem:s2] =	stream.indirect.scatter.add.f32 [tilespmem:s12], [sflag:$0x1], $0x8, s3, s14, $0xb8;
	[tilespmem:$0x3C08] =	vst v63  }
0x24: {  	_ =	swait.ge [sflag:s13], $0x280  }
0x25: {  	s17 =	simm.s32 $0x14;
	s16 =	simm.s32 $0xA;
	[sflag:s13] =	ssyncset.done $0x0  }
.LBB2_2:
0x26: {  	s18 =	sadd.s32 s16, s8  }
0x27: {  	[sflag:s13] =	ssyncadd.s32 $0xFFFFFD80;
	s16 =	smov.u32 s17;
	s19 =	sadd.s32 $0xA, s17  }
0x28: {  	[tilespmem:s3], [sflag:$0x1] =	stream.linear.gather [hbm4b:s18+s3], $0x50, $0x38;
	[tilespmem:$0x3C08] =	vst v63  }
0x29: {  	p1 =	sne.s32 s17, $0x9BA;
	_ =	swait.ge [sflag:s13], $0x50  }
.Ltmp0:
0x2a: {  	[sflag:s13] =	ssyncset.done $0x0;
	(pc) =	sbr.rel @p1 .LBB2_2-.Ltmp0, $4  }
0x2b: {  	[sflag:s13] =	ssyncadd.s32 $0xFFFFFFB0  }
0x2c: {  	[spmem:s2] =	stream.indirect.scatter.add.f32 [tilespmem:s12], [sflag:$0x1], $0x8, s3, s14, $0xb8;
	[tilespmem:$0x3C08] =	vst v63  }
0x2d: {  	_ =	swait.ge [sflag:s13], $0x280  }
0x2e: {  	s17 =	smov.u32 s19;
	[sflag:s13] =	ssyncset.done $0x0  }
0x2f: {  	s16 =	sadd.s32 s16, s8;
	[sflag:s13] =	ssyncadd.s32 $0xFFFFFD80  }
0x30: {  	[tilespmem:s3], [sflag:$0x1] =	stream.linear.gather [hbm4b:s16+s3], $0x50, $0x38;
	[tilespmem:$0x3C08] =	vst v63  }
0x31: {  	_ =	swait.ge [sflag:s13], $0x50  }
0x32: {  	[sflag:s13] =	ssyncset.done $0x0  }
0x33: {  	[sflag:s13] =	ssyncadd.s32 $0xFFFFFFB0  }
0x34: {  	[spmem:s2] =	stream.indirect.scatter.add.f32 [tilespmem:s12], [sflag:$0x1], $0x8, s3, s14, $0xb8;
	[tilespmem:$0x3C08] =	vst v63  }
0x35: {  	_ =	swait.ge [sflag:s13], $0x280  }
0x36: {  	[sflag:s13] =	ssyncset.done $0x0  }
0x37: {  	[sflag:s13] =	ssyncadd.s32 $0xFFFFFD80  }
0x38: {  	s16 =	simm.s32 @p0 $0x1FC1;
	[bflag:$0x0] =	sbarrier.arrive $0xFFFF  }
0x39: {  	[hbm:s6], [sflag:s16] =	dma.local @p0 [spmem:s9], $0x2800  }
0x3a: {  	s16 =	simm.s32 @p0 $0x1  }
0x3b: {  	s15 =	sadd.s32 $0x1, s15;
	_ =	swait.ge @p0 [sflag:s16], $0x2800  }
0x3c: {  	p1 =	sne.s32 s15, s7;
	[sflag:s16] =	ssyncset.done @p0 $0x0  }
.Ltmp1:
0x3d: {  	[sflag:s16] =	ssyncadd.s32 @p0 $0xFFFFD800;
	s16 =	simm.s32 @!p0 $0x1;
	(pc) =	sbr.rel @p1 .LBB2_1-.Ltmp1, $4  }
0x3e: {  	[hbm:s5], [sflag:s10] =	dma.local @!p0 [spmem:s11], $0x2700  }
0x3f: {  	_ =	swait.ge @!p0 [sflag:s16], $0x2700  }
0x40: {  	[sflag:s16] =	ssyncset.done @!p0 $0x0  }
0x41: {  	[sflag:s16] =	ssyncadd.s32 @!p0 $0xFFFFD900  }
0x42: {  	_ =	sfence.sel $0x180000  }
0x43: {  	[bflag:$0x0] =	sbarrier.arrive $0xFFFF  }
0x44: {  	p0 =	sne.s32 s0, $0x0;
	_ =	strace $0x90000047  }
0x45: {  	s0 =	sadd.s32 @!p0 $0x100000, s1;
	[bflag:$0x2] =	sbarrier.arrive $0xFFFF  }
0x46: {  	[sflag:s0] =	ssyncadd.tile.s32 @!p0 $0x1;
	_ =	shalt  }
.Lfunc_end2:
_tile_overlayer_lowered:
.L_overlay_start_2:
0x47: {  	(tag) =	ssettag $0x2  }
0x48: {  	s0 =	rddreg [dreg:$0x0];
	s2 =	stileid.u32  }
0x49: {  	s1 =	rddreg [dreg:$0x1];
	p0 =	sne.s32 s2, $0x0  }
0x4a: {  	s3 =	rddreg [dreg:$0x2];
	[bflag:$0x3] =	sbarrier.arrive $0xFFFF;
	s2 =	simm.s32 @!p0 $0x1C01  }
0x4b: {  	[timem:s3], [sflag:s2] =	dma.local @!p0 [hbm:s0], s1  }
0x4c: {  	s0 =	simm.s32 @!p0 $0x1  }
0x4d: {  	_ =	swait.ge @!p0 [sflag:s0], s1  }
0x4e: {  	s1 =	ssub.s32 @!p0 $0x0, s1;
	[sflag:s0] =	ssyncset.done @!p0 $0x0  }
0x4f: {  	[sflag:s0] =	ssyncadd.s32 @!p0 s1  }
0x50: {  	[bflag:$0x3] =	sbarrier.arrive $0xFFFF  }
0x51: {  	_ =	shalt  }

// kernel: kernel.9.cloned.1.call-start
scs
__scs_entry_jumppad:
0x0: {  	(pc) =	sbr.rel $0x88, $3  }
0x1: {  	(tag) =	ssettag $0x0;
	lr =	simm.s32 $0x1  }
0x2: {  	[smem:$0x3F97] =	sst lr;
	_ =	strace $0xD0000000  }
0x3: {  	_ = 	snop  }
0x4: {  	_ = 	snop  }
0x5: {  	_ = 	snop  }
0x6: {  	_ = 	snop  }
0x7: {  	_ = 	snop  }
__scs_overlays_trampoline_lowered:
0x8: {  	[smem:$0x3FA6] =	sst s0  }
0x9: {  	[smem:$0x3FA7] =	sst s1  }
0xa: {  	[smem:$0x3FA8] =	sst s2  }
0xb: {  	[smem:$0x3FA9] =	sst s3  }
0xc: {  	[smem:$0x3FAA] =	sst s4  }
0xd: {  	[smem:$0x3FAB] =	sst s5  }
0xe: {  	[smem:$0x3FAC] =	sst s6  }
0xf: {  	[smem:$0x3FAD] =	sst s7  }
0x10: {  	[smem:$0x3FAE] =	sst s8  }
0x11: {  	[smem:$0x3FAF] =	sst s9;
	s0 =	simm.s32 @!p0 $0x0  }
0x12: {  	s1 =	sld [smem:$0x3F95];
	s0 =	simm.s32 @p0 $0x1  }
0x13: {  	[smem:$0x3FB0] =	sst s0;
	s0 =	simm.s32 @!p1 $0x0  }
0x14: {  	s2 =	sld [smem:$0x3F94];
	s0 =	simm.s32 @p1 $0x1  }
0x15: {  	[smem:$0x3FB1] =	sst s0;
	s0 =	simm.s32 @!p2 $0x0  }
0x16: {  	s3 =	sld [smem:$0x3FDB];
	s0 =	simm.s32 @p2 $0x1  }
0x17: {  	s4 =	simm.s32 $0x1BF5;
	[smem:$0x3FB3] =	sst s0  }
0x18: {  	s0 =	sld [smem:$0x3F96];
	_ =	swait.ge [sflag:s4], $0x0  }
0x19: {  	s7 =	sld [smem:$0x3F97]  }
0x1a: {  	s8 =	sadd.s32 $0xFFFFE003, lr  }
0x1b: {  	s9 =	sadd.s32 $0xFFFFFEF7, lr;
	s5 =	simm.s32 $0xFFFFFFFF;
	p2 =	slt.u32 s8, $0xFFFFF086  }
0x1c: {  	p1 =	slt.u32 s9, $0xF7A;
	s5 =	simm.s32 @!p2 $0x0  }
0x1d: {  	s5 =	simm.s32 @p1 $0x1;
	p0 =	seq.s32 s7, s2  }
0x1e: {  	s7 =	smul.u32 @!p0 $0xF7A, s2;
	p2 =	seq.s32 @!p0 s5, $0x0  }
0x1f: {  	s9 =	smul.u32 $0xF7A, s1;
	s8 =	simm.s32 @!p0 $0x1BF5;
	p2 =	por !p2, p0  }
0x20: {  	[sflag:s8] =	ssyncset.s32 @!p0 $0xFFFFF086;
	s6 =	sadd.s32 @!p0 s3, s7;
	s7 =	simm.s32 @!p0 $0x108  }
0x21: {  	s3 =	sadd.s32 s3, s9;
	s6 =	sadd.s32 @!p0 $0x88, s6;
	s7 =	simm.s32 @p2 $0x1082  }
0x22: {  	[simem:s7], [sflag:s8] =	dma.local @!p0 [hbm:s6], $0xF7A  }
0x23: {  	s9 =	sor.u32 $0xD0000000, s2;
	s6 =	simm.s32 $0x108;
	_ =	swait.ge @!p0 [sflag:s8], $0x0  }
0x24: {  	s3 =	sadd.s32 $0x88, s3;
	s6 =	simm.s32 @!p1 $0x1082;
	[sflag:s4] =	ssyncset.s32 $0xFFFFF086  }
0x25: {  	[simem:s6], [sflag:s4] =	dma.local [hbm:s3], $0xF7A  }
0x26: {  	[smem:$0x3F97] =	sst s1;
	(tag) =	ssettag s2;
	_ =	strace s9  }
0x27: {  	s1 =	sld [smem:$0x3FA7]  }
0x28: {  	s2 =	sld [smem:$0x3FA8]  }
0x29: {  	s4 =	sld [smem:$0x3FAA]  }
0x2a: {  	p0 =	seq.s32 s5, $0x0;
	s5 =	sld [smem:$0x3FAB]  }
0x2b: {  	s6 =	sld [smem:$0x3FAC]  }
0x2c: {  	s7 =	sld [smem:$0x3FAD]  }
0x2d: {  	s3 =	simm.s32 $0x108;
	s8 =	sld [smem:$0x3FAE]  }
0x2e: {  	s3 =	simm.s32 @!p0 $0x1082;
	s9 =	sld [smem:$0x3FAF]  }
0x2f: {  	lr =	sadd.s32 s0, s3;
	s0 =	sld [smem:$0x3FA6]  }
0x30: {  	s3 =	sld [smem:$0x3FA9]  }
0x31: {  	[smem:$0x3FB2] =	sst s10  }
0x32: {  	s10 =	sld [smem:$0x3FB0];
	_ =	sdelay $0x3  }
0x33: {  	p0 =	seq.s32 s10, $0x1;
	s10 =	sld [smem:$0x3FB2];
	_ =	sdelay $0x3  }
0x34: {  	[smem:$0x3FB2] =	sst s10  }
0x35: {  	s10 =	sld [smem:$0x3FB1];
	_ =	sdelay $0x3  }
0x36: {  	p1 =	seq.s32 s10, $0x1;
	s10 =	sld [smem:$0x3FB2];
	_ =	sdelay $0x3  }
0x37: {  	[smem:$0x3FB2] =	sst s10  }
0x38: {  	s10 =	sld [smem:$0x3FB3]  }
0x39: {  	_ = 	snop;
	(pc) =	sbr.ind lr, $3  }
0x3a: {  	_ = 	snop  }
0x3b: {  	_ = 	snop  }
0x3c: {  	p2 =	seq.s32 s10, $0x1;
	s10 =	sld [smem:$0x3FB2]  }
0x3d: {  	_ =	shalt  }
0x3e: {  	_ =	shalt  }
0x3f: {  	_ =	shalt  }
0x40: {  	_ =	shalt  }
0x41: {  	_ =	shalt  }
0x42: {  	_ =	shalt  }
0x43: {  	_ =	shalt  }
0x44: {  	_ =	shalt  }
0x45: {  	_ =	shalt  }
0x46: {  	_ =	shalt  }
0x47: {  	_ =	shalt  }
0x48: {  	_ =	shalt  }
0x49: {  	_ =	shalt  }
0x4a: {  	_ =	shalt  }
0x4b: {  	_ =	shalt  }
0x4c: {  	_ =	shalt  }
0x4d: {  	_ =	shalt  }
0x4e: {  	_ =	shalt  }
0x4f: {  	_ =	shalt  }
0x50: {  	_ =	shalt  }
0x51: {  	_ =	shalt  }
0x52: {  	_ =	shalt  }
0x53: {  	_ =	shalt  }
0x54: {  	_ =	shalt  }
0x55: {  	_ =	shalt  }
0x56: {  	_ =	shalt  }
0x57: {  	_ =	shalt  }
0x58: {  	_ =	shalt  }
0x59: {  	_ =	shalt  }
0x5a: {  	_ =	shalt  }
0x5b: {  	_ =	shalt  }
0x5c: {  	_ =	shalt  }
0x5d: {  	_ =	shalt  }
0x5e: {  	_ =	shalt  }
0x5f: {  	_ =	shalt  }
0x60: {  	_ =	shalt  }
0x61: {  	_ =	shalt  }
0x62: {  	_ =	shalt  }
0x63: {  	_ =	shalt  }
0x64: {  	_ =	shalt  }
0x65: {  	_ =	shalt  }
0x66: {  	_ =	shalt  }
0x67: {  	_ =	shalt  }
0x68: {  	_ =	shalt  }
0x69: {  	_ =	shalt  }
0x6a: {  	_ =	shalt  }
0x6b: {  	_ =	shalt  }
0x6c: {  	_ =	shalt  }
0x6d: {  	_ =	shalt  }
0x6e: {  	_ =	shalt  }
0x6f: {  	_ =	shalt  }
0x70: {  	_ =	shalt  }
0x71: {  	_ =	shalt  }
0x72: {  	_ =	shalt  }
0x73: {  	_ =	shalt  }
0x74: {  	_ =	shalt  }
0x75: {  	_ =	shalt  }
0x76: {  	_ =	shalt  }
0x77: {  	_ =	shalt  }
0x78: {  	_ =	shalt  }
0x79: {  	_ =	shalt  }
0x7a: {  	_ =	shalt  }
0x7b: {  	_ =	shalt  }
0x7c: {  	_ =	shalt  }
0x7d: {  	_ =	shalt  }
0x7e: {  	_ =	shalt  }
0x7f: {  	_ =	shalt  }
0x80: {  	_ =	shalt  }
0x81: {  	_ =	shalt  }
0x82: {  	_ =	shalt  }
0x83: {  	_ =	shalt  }
0x84: {  	_ =	shalt  }
0x85: {  	_ =	shalt  }
0x86: {  	_ =	shalt  }
0x87: {  	_ =	shalt  }
.Lfunc_end0:
.L_simem_size_0:
called_computation.1_lowered:
.L_overlay_start_0:
0x88: {  	s2 =	sld [smem:$0x3FD9]  }
0x89: {  	s3 =	sld [smem:$0x3FFE];
	_ =	sdelay $0x1  }
0x8a: {  	s1 =	srdreg.scid  }
0x8b: {  	s0 =	sand.u32 $0x1, s1  }
0x8c: {  	s16 =	sshll.u32 s0, $0xA;
	s2 =	sadd.s32 s3, s2  }
0x8d: {  	s2 =	sadd.s32 s2, s16  }
0x8e: {  	[smem:$0x3FBE] =	sst s2  }
0x8f: {  	_ = 	snop  }
0x90: {  	(tm) =	ssettm $0x1  }
0x91: {  	s17 =	sld [smem:$0x3FFB];
	_ =	sdelay $0x3  }
0x92: {  	_ =	strace s17  }
0x93: {  	s2 =	sld [smem:$0x3FFC];
	_ =	sdelay $0x3  }
0x94: {  	_ =	strace s2  }
0x95: {  	s2 =	sld [smem:$0x3FFD];
	_ =	sdelay $0x3  }
0x96: {  	_ =	strace s2  }
0x97: {  	_ =	strace $0x8FFFFFFF  }
0x98: {  	s18 =	sld [smem:$0x3FDB];
	_ =	sdelay $0x1  }
0x99: {  	s19 =	simm.s32 $_scs_section_size  }
0x9a: {  	s4 =	simm.s32 $_size__tile_overlayer_lowered;
	s5 =	simm.s32 $_tile_overlayer_lowered  }
0x9b: {  	s22 =	simm.s32 $0x1BFF;
	s21 =	sshll.u32 s5, $0x1;
	s2 =	sadd.s32 s19, s18  }
0x9c: {  	s6 =	simm.s32 $0x0;
	s20 =	sshll.u32 s4, $0x1;
	s4 =	sadd.s32 s21, s2  }
0x9d: {  	[timem:s6], [sflag:s22] =	dma.local [hbm:s4], s20  }
0x9e: {  	_ =	swait.ge [sflag:s22], s20  }
0x9f: {  	s3 =	ssub.s32 $0x0, s20;
	[sflag:s22] =	ssyncset.done $0x0  }
0xa0: {  	[sflag:s22] =	ssyncadd.s32 s3;
	_ =	sdelay $0x1  }
0xa1: {  	s23 =	simm.s32 $0x1B8B  }
0xa2: {  	_ =	swait.ge [sflag:s23], $0x1  }
0xa3: {  	[sflag:s23] =	ssyncset.done $0x0  }
0xa4: {  	s25 =	simm.s32 $0x1B8E;
	s24 =	sld [smem:$0x3FFE];
	[sflag:s23] =	ssyncadd.s32 $0xFFFFFFFF  }
0xa5: {  	s26 =	simm.s32 $execute0_lowered;
	[smem:$0x3FD2] =	sst s25  }
0xa6: {  	s4 =	sshll.u32 s26, $0x1;
	_ =	strace $0x80000049;
	[dreg:$0x1] =	wrdreg $0xFFFFFFFF  }
0xa7: {  	s28 =	simm.s32 $_size_execute0_lowered;
	s2 =	sadd.s32 s2, s4;
	[dreg:$0x0] =	wrdreg $0x0  }
0xa8: {  	s4 =	sshll.u32 s28, $0x1;
	[dreg:$0x2] =	wrdreg s2  }
0xa9: {  	[dreg:$0x3] =	wrdreg s4  }
0xaa: {  	[dreg:$0x4] =	wrdreg $0xC0  }
0xab: {  	_ =	task [dreg:s6], $0x5FFFF  }
0xac: {  	[dreg:$0x1] =	wrdreg $0xFFFFFFFF  }
0xad: {  	[dreg:$0x0] =	wrdreg $0x60  }
0xae: {  	[dreg:$0x2] =	wrdreg s24  }
0xaf: {  	[dreg:$0x3] =	wrdreg $0x29000  }
0xb0: {  	[dreg:$0x4] =	wrdreg $0x9  }
0xb1: {  	_ =	task.clear_ibuf [dreg:s6], $0x5FFFF;
	_ =	strace $0x90000049  }
0xb2: {  	s29 =	simm.s32 $0x9;
	_ =	strace $0x8000004B  }
0xb3: {  	_ =	swait.ge [sflag:s29], $0x1  }
0xb4: {  	[sflag:s29] =	ssyncadd.s32 $0xFFFFFFFF  }
0xb5: {  	_ =	strace $0x9000004B  }
0xb6: {  	_ =	sfence  }
0xb7: {  	s30 =	sld [smem:$0x0];
	_ =	sdelay $0x2  }
0xb8: {  	s31 =	sshll.u32 s1, $0xD;
	s1 =	sshrl.u32 s1, $0x2  }
0xb9: {  	s3 =	sand.u32 $0x4000, s31;
	s1 =	sadd.s32 s1, s30  }
0xba: {  	s0 =	sor.u32 s3, s0;
	s1 =	sshll.u32 s1, $0x11  }
0xbb: {  	s0 =	sor.u32 s1, s0  }
0xbc: {  	s0 =	sadd.s32 $0x8F2B, s0  }
0xbd: {  	[sflag:s0] =	ssyncadd.remote.s32 $0x1  }
0xbe: {  	_ =	sfence.sel $0xFFFF  }
0xbf: {  	[dreg:$0x0] =	wrdreg $0xFFFFFFFF;
	(pc) =	sbr.abs _section_cstart, $3  }
0xc0: {  	[dreg:$0x1] =	wrdreg $0xFFFFFFFF  }
0xc1: {  	_ =	task.clear_ibuf [dreg:s6], $0x2FFFF;
	_ =	strace $0x9FFFFFFF  }
0xc2: {  	(tm) =	ssettm $0x7FFFFFFF  }
0xc3: {  	_ =	shalt  }
tec
execute0_lowered:
.L_overlay_start_1:
0x0: {  	(tag) =	ssettag $0x1  }
0x1: {  	s5 =	rddreg [dreg:$0x0];
	s0 =	srdreg.scid  }
0x2: {  	s2 =	rddreg [dreg:$0x1];
	s1 =	stileid.u32;
	s3 =	simm.s32 $0x0  }
0x3: {  	s15 =	simm.s32 $0x2;
	s16 =	simm.s32 $0x80;
	s17 =	simm.s32 $0x50  }
0x4: {  	s18 =	simm.s32 $0x100;
	s19 =	simm.s32 $0x1;
	s7 =	smul.u32 $0x4E20, s1  }
0x5: {  	s4 =	sand.u32 $0x1, s0;
	s0 =	rddreg [dreg:$0x2];
	s8 =	smul.u32 $0x4E000, s1  }
0x6: {  	s20 =	simm.s32 $0x0;
	[smem:$0x7FF] =	sst s3;
	s10 =	smul.u32 $0x2700, s1  }
0x7: {  	s13 =	sadd.s32 $0xED200, s5;
	p0 =	seq.s32 s1, $0xF;
	s6 =	smul.u32 $0x4E200, s4  }
0x8: {  	_ =	strace $0x8000004A;
	s26 =	smul.u32 $0x27100, s4;
	s9 =	ssub.s32 $0x2, s4  }
0x9: {  	s12 =	smul.u32 $0x138800, s4;
	s4 =	sadd.s32 $0x9F000, s5;
	s28 =	sshrl.u32 s9, $0x1  }
0xa: {  	s29 =	sshrl.u32 s8, $0x2;
	s6 =	sadd.s32 s7, s6;
	s9 =	ssub.s32 s9, s28  }
0xb: {  	s7 =	sadd.s32 s10, s26;
	s30 =	sshrl.u32 s12, $0x3;
	s14 =	sadd.s32 s29, s2  }
0xc: {  	s12 =	sadd.s32 $0x124800, s2;
	s6 =	sshrl.u32 s6, $0x3;
	s31 =	sadd.s32 $0x24900, s30  }
0xd: {  	s9 =	smax.u32 s9, $0x1;
	s12 =	sshrl.u32 @p0 s12, $0x3;
	s14 =	sshrl.u32 @!p0 s14, $0x3  }
0xe: {  	s11 =	sadd.s32 s6, s5;
	s5 =	sadd.s32 s4, s7;
	s6 =	sadd.s32 s4, s31  }
0xf: {  	s7 =	sadd.s32 s13, s7;
	s8 =	sadd.s32 s13, s31;
	s13 =	sshll.u32 @!p0 s1, $0x6  }
0x10: {  	s10 =	sadd.s32 $0x16200, s11;
	s11 =	sadd.s32 $0x2800, s11;
	s13 =	sor.u32 @!p0 $0x1C02, s13  }
.LBB2_1:
0x11: {  	s21 =	simm.s32 @p0 $0x1FC2  }
0x12: {  	[spmem:s12], [sflag:s21] =	dma.local @p0 [hbm:s6], $0x2800  }
0x13: {  	s21 =	simm.s32 @p0 $0x2  }
0x14: {  	_ =	swait.ge @p0 [sflag:s21], $0x2800  }
0x15: {  	[sflag:s21] =	ssyncset.done @p0 $0x0  }
0x16: {  	[sflag:s21] =	ssyncadd.s32 @p0 $0xFFFFD800;
	s21 =	simm.s32 @!p0 $0x2  }
0x17: {  	[spmem:s14], [sflag:s13] =	dma.local @!p0 [hbm:s5], $0x2700  }
0x18: {  	_ =	swait.ge @!p0 [sflag:s21], $0x2700  }
0x19: {  	[sflag:s21] =	ssyncset.done @!p0 $0x0  }
0x1a: {  	[sflag:s21] =	ssyncadd.s32 @!p0 $0xFFFFD900  }
0x1b: {  	s30 =	sadd.s32 $0x0, s11;
	[bflag:$0x0] =	sbarrier.arrive $0xFFFF  }
0x1c: {  	[tilespmem:s3], [sflag:$0x2] =	stream.linear.gather [hbm4b:s30+s3], $0x50, $0x38;
	[tilespmem:$0x16180] =	vst v63  }
0x1d: {  	_ =	swait.ge [sflag:s15], $0x50  }
0x1e: {  	[sflag:s15] =	ssyncset.done $0x0  }
0x1f: {  	s31 =	sadd.s32 $0x0, s10;
	[sflag:s15] =	ssyncadd.s32 $0xFFFFFFB0  }
0x20: {  	[tilespmem:s16], [sflag:$0x2] =	stream.linear.gather [hbm4b:s31+s3], $0x50, $0x38;
	[tilespmem:$0x16180] =	vst v63  }
0x21: {  	_ =	swait.ge [sflag:s15], $0x50  }
0x22: {  	[sflag:s15] =	ssyncset.done $0x0  }
0x23: {  	[sflag:s15] =	ssyncadd.s32 $0xFFFFFFB0  }
0x24: {  	[tilespmem:s18], [sflag:$0x1] =	stream.indirect.gather [hbm4b:s4+s17], $0x80, s3, s17, $0xb8;
	[tilespmem:$0x16180] =	vst v63  }
0x25: {  	_ =	swait.ge [sflag:s19], $0x2800  }
0x26: {  	[sflag:s19] =	ssyncset.done $0x0  }
0x27: {  	[sflag:s19] =	ssyncadd.s32 $0xFFFFD800  }
0x28: {  	[spmem:s2] =	stream.indirect.scatter.add.f32 [tilespmem:s18], [sflag:$0x2], $0x80, s16, s17, $0xb8;
	[tilespmem:$0x16180] =	vst v63  }
0x29: {  	_ =	swait.ge [sflag:s15], $0x2800  }
0x2a: {  	s22 =	simm.s32 $0x14;
	s21 =	simm.s32 $0xA;
	[sflag:s15] =	ssyncset.done $0x0  }
.LBB2_2:
0x2b: {  	s23 =	sadd.s32 s21, s11  }
0x2c: {  	[sflag:s15] =	ssyncadd.s32 $0xFFFFD800;
	s24 =	smov.u32 s22;
	s25 =	sadd.s32 $0xA, s22  }
0x2d: {  	[tilespmem:s3], [sflag:$0x2] =	stream.linear.gather [hbm4b:s23+s3], $0x50, $0x38;
	[tilespmem:$0x16180] =	vst v63  }
0x2e: {  	p1 =	sne.s32 s22, $0x9BA;
	_ =	swait.ge [sflag:s15], $0x50  }
0x2f: {  	[sflag:s15] =	ssyncset.done $0x0  }
0x30: {  	s22 =	sadd.s32 s21, s10;
	s21 =	smov.u32 s24;
	[sflag:s15] =	ssyncadd.s32 $0xFFFFFFB0  }
0x31: {  	[tilespmem:s16], [sflag:$0x2] =	stream.linear.gather [hbm4b:s22+s3], $0x50, $0x38;
	[tilespmem:$0x16180] =	vst v63  }
0x32: {  	_ =	swait.ge [sflag:s15], $0x50  }
0x33: {  	[sflag:s15] =	ssyncset.done $0x0  }
0x34: {  	[sflag:s15] =	ssyncadd.s32 $0xFFFFFFB0  }
0x35: {  	[tilespmem:s18], [sflag:$0x1] =	stream.indirect.gather [hbm4b:s4+s17], $0x80, s3, s17, $0xb8;
	[tilespmem:$0x16180] =	vst v63  }
0x36: {  	_ =	swait.ge [sflag:s19], $0x2800  }
.Ltmp0:
0x37: {  	[sflag:s19] =	ssyncset.done $0x0;
	(pc) =	sbr.rel @p1 .LBB2_2-.Ltmp0, $4  }
0x38: {  	[sflag:s19] =	ssyncadd.s32 $0xFFFFD800  }
0x39: {  	[spmem:s2] =	stream.indirect.scatter.add.f32 [tilespmem:s18], [sflag:$0x2], $0x80, s16, s17, $0xb8;
	[tilespmem:$0x16180] =	vst v63  }
0x3a: {  	_ =	swait.ge [sflag:s15], $0x2800  }
0x3b: {  	s22 =	smov.u32 s25;
	[sflag:s15] =	ssyncset.done $0x0  }
0x3c: {  	s22 =	sadd.s32 s21, s11;
	[sflag:s15] =	ssyncadd.s32 $0xFFFFD800  }
0x3d: {  	[tilespmem:s3], [sflag:$0x2] =	stream.linear.gather [hbm4b:s22+s3], $0x50, $0x38;
	[tilespmem:$0x16180] =	vst v63  }
0x3e: {  	_ =	swait.ge [sflag:s15], $0x50  }
0x3f: {  	[sflag:s15] =	ssyncset.done $0x0  }
0x40: {  	s31 =	sadd.s32 s21, s10;
	[sflag:s15] =	ssyncadd.s32 $0xFFFFFFB0  }
0x41: {  	[tilespmem:s16], [sflag:$0x2] =	stream.linear.gather [hbm4b:s31+s3], $0x50, $0x38;
	[tilespmem:$0x16180] =	vst v63  }
0x42: {  	_ =	swait.ge [sflag:s15], $0x50  }
0x43: {  	[sflag:s15] =	ssyncset.done $0x0  }
0x44: {  	[sflag:s15] =	ssyncadd.s32 $0xFFFFFFB0  }
0x45: {  	[tilespmem:s18], [sflag:$0x1] =	stream.indirect.gather [hbm4b:s4+s17], $0x80, s3, s17, $0xb8;
	[tilespmem:$0x16180] =	vst v63  }
0x46: {  	_ =	swait.ge [sflag:s19], $0x2800  }
0x47: {  	[sflag:s19] =	ssyncset.done $0x0  }
0x48: {  	[sflag:s19] =	ssyncadd.s32 $0xFFFFD800  }
0x49: {  	[spmem:s2] =	stream.indirect.scatter.add.f32 [tilespmem:s18], [sflag:$0x2], $0x80, s16, s17, $0xb8;
	[tilespmem:$0x16180] =	vst v63  }
0x4a: {  	_ =	swait.ge [sflag:s15], $0x2800  }
0x4b: {  	[sflag:s15] =	ssyncset.done $0x0  }
0x4c: {  	[sflag:s15] =	ssyncadd.s32 $0xFFFFD800  }
0x4d: {  	s21 =	simm.s32 @p0 $0x1FC2;
	[bflag:$0x0] =	sbarrier.arrive $0xFFFF  }
0x4e: {  	[hbm:s8], [sflag:s21] =	dma.local @p0 [spmem:s12], $0x2800  }
0x4f: {  	s21 =	simm.s32 @p0 $0x2  }
0x50: {  	s20 =	sadd.s32 $0x1, s20;
	_ =	swait.ge @p0 [sflag:s21], $0x2800  }
0x51: {  	p1 =	sne.s32 s20, s9;
	[sflag:s21] =	ssyncset.done @p0 $0x0  }
.Ltmp1:
0x52: {  	[sflag:s21] =	ssyncadd.s32 @p0 $0xFFFFD800;
	s21 =	simm.s32 @!p0 $0x2;
	(pc) =	sbr.rel @p1 .LBB2_1-.Ltmp1, $4  }
0x53: {  	[hbm:s7], [sflag:s13] =	dma.local @!p0 [spmem:s14], $0x2700  }
0x54: {  	_ =	swait.ge @!p0 [sflag:s21], $0x2700  }
0x55: {  	[sflag:s21] =	ssyncset.done @!p0 $0x0  }
0x56: {  	[sflag:s21] =	ssyncadd.s32 @!p0 $0xFFFFD900  }
0x57: {  	_ =	sfence.sel $0x180000  }
0x58: {  	[bflag:$0x0] =	sbarrier.arrive $0xFFFF  }
0x59: {  	p0 =	sne.s32 s1, $0x0;
	_ =	strace $0x9000004A  }
0x5a: {  	s0 =	sadd.s32 @!p0 $0x100000, s0;
	[bflag:$0x2] =	sbarrier.arrive $0xFFFF  }
0x5b: {  	[sflag:s0] =	ssyncadd.tile.s32 @!p0 $0x1;
	_ =	shalt  }
.Lfunc_end2:
_tile_overlayer_lowered:
.L_overlay_start_2:
0x5c: {  	(tag) =	ssettag $0x2  }
0x5d: {  	s0 =	rddreg [dreg:$0x0];
	s2 =	stileid.u32  }
0x5e: {  	s1 =	rddreg [dreg:$0x1];
	p0 =	sne.s32 s2, $0x0  }
0x5f: {  	s3 =	rddreg [dreg:$0x2];
	[bflag:$0x3] =	sbarrier.arrive $0xFFFF;
	s2 =	simm.s32 @!p0 $0x1C02  }
0x60: {  	[timem:s3], [sflag:s2] =	dma.local @!p0 [hbm:s0], s1  }
0x61: {  	s0 =	simm.s32 @!p0 $0x2  }
0x62: {  	_ =	swait.ge @!p0 [sflag:s0], s1  }
0x63: {  	s1 =	ssub.s32 @!p0 $0x0, s1;
	[sflag:s0] =	ssyncset.done @!p0 $0x0  }
0x64: {  	[sflag:s0] =	ssyncadd.s32 @!p0 s1  }
0x65: {  	[bflag:$0x3] =	sbarrier.arrive $0xFFFF  }
0x66: {  	_ =	shalt  }

</sc_bundles>
